<compile_context>
chip_gen: v7x
topology: tpu7x:2x2x1
jax: 0.10.2.dev20260603
libtpu: 0.0.44.dev20260713+nightly
codegen_flags: <defaults>
</compile_context>

<pallas_src>
import functools

import numpy as np
import jax
import jax.numpy as jnp
from jax import lax
from jax.experimental import pallas as pl
from jax.experimental.pallas import tpu as pltpu
from jax.experimental.pallas import tpu_sc as plsc

_NC, _NS = 2, 16
_NW = _NC * _NS
_CH = 128
_K = 2


def _sc_gather(table, idx2d):
    n_ch_total, ch = idx2d.shape
    v, d = table.shape
    assert ch == _CH
    n_rows = n_ch_total * _CH
    n_ch = n_ch_total // _NW
    n_g = n_ch // _K
    assert n_ch_total % _NW == 0 and n_ch % _K == 0 and n_g % 2 == 0

    mesh = plsc.VectorSubcoreMesh(
        core_axis_name="c", subcore_axis_name="s",
        num_cores=_NC, num_subcores=_NS)

    @functools.partial(
        pl.kernel,
        out_type=jax.ShapeDtypeStruct((n_rows, d), jnp.float32),
        mesh=mesh,
        scratch_types=[
            pltpu.VMEM((n_ch, _CH), jnp.int32),
            pltpu.VMEM((2, _K * _CH, d), jnp.float32),
            pltpu.SemaphoreType.DMA,
            pltpu.SemaphoreType.DMA,
        ],
        compiler_params=pltpu.CompilerParams(use_tc_tiling_on_sc=False),
    )
    def gather_kernel(table_hbm, idx_hbm, out_hbm, idx_v, rows_v, sem0, sem1):
        wid = lax.axis_index("s") * _NC + lax.axis_index("c")
        ch0 = wid * n_ch
        sems = (sem0, sem1)

        pltpu.sync_copy(idx_hbm.at[pl.ds(ch0, n_ch)], idx_v)

        def issue_group(g, slot):
            for k in range(_K):
                pltpu.async_copy(
                    table_hbm.at[idx_v.at[g * _K + k]],
                    rows_v.at[slot].at[pl.ds(k * _CH, _CH)],
                    sems[slot])

        def drain_group(slot):
            for k in range(_K):
                pltpu.make_async_copy(
                    table_hbm.at[idx_v.at[0]],
                    rows_v.at[slot].at[pl.ds(k * _CH, _CH)],
                    sems[slot]).wait()

        issue_group(0, 0)

        @pl.loop(0, n_g // 2)
        def _(q):
            for s in range(2):
                g = q * 2 + s
                gn = jnp.minimum(g + 1, n_g - 1)
                drain_group(s)
                issue_group(gn, 1 - s)
                pltpu.sync_copy(
                    rows_v.at[s],
                    out_hbm.at[pl.ds((ch0 + g * _K) * _CH, _K * _CH)])

        drain_group(0)

    return gather_kernel(table, idx2d)


def _make_pe(seq_len, d):
    pos = np.arange(seq_len, dtype=np.float64)[:, None]
    div = np.exp(np.arange(0, d, 2, dtype=np.float64) * (-np.log(10000.0) / d))
    pe = np.zeros((seq_len, d), np.float64)
    pe[:, 0::2] = np.sin(pos * div)
    pe[:, 1::2] = np.cos(pos * div)
    return jnp.asarray(pe, jnp.float32)


def _project_t(g3, par, wbd, w2t, pe, b2):
    seq, bsz, d2 = g3.shape
    d = d2 // 2
    ll = 4
    assert seq % ll == 0

    def body(g_ref, p_ref, wbd_ref, w2t_ref, pe_ref, b_ref, o_ref):
        pid = pl.program_id(0)
        pe_blk = pe_ref[pl.ds(pid * ll, ll), :]
        c = jnp.dot(pe_blk, w2t_ref[...],
                    preferred_element_type=jnp.float32) + b_ref[...]
        x = g_ref[...]
        p = p_ref[0]
        for l in range(ll):
            y = lax.dot_general(
                wbd_ref[...], x[l],
                dimension_numbers=(((0,), (1,)), ((), ())),
                preferred_element_type=jnp.float32)
            sel = jnp.where(p[l][None, :] != 0, y[d:d2, :], y[0:d, :])
            o_ref[l, :, :] = sel + c[l, :, None]

    return pl.pallas_call(
        body,
        grid=(seq // ll,),
        in_specs=[
            pl.BlockSpec((ll, bsz, d2), lambda i: (i, 0, 0)),
            pl.BlockSpec((1, ll, bsz), lambda i: (i, 0, 0)),
            pl.BlockSpec((d2, d2), lambda i: (0, 0)),
            pl.BlockSpec((d, d), lambda i: (0, 0)),
            pl.BlockSpec((seq, d), lambda i: (0, 0)),
            pl.BlockSpec((1, d), lambda i: (0, 0)),
        ],
        out_specs=pl.BlockSpec((ll, d, bsz), lambda i: (i, 0, 0)),
        out_shape=jax.ShapeDtypeStruct((seq, d, bsz), jnp.float32),
    )(g3, par.reshape(seq // ll, ll, bsz), wbd, w2t, pe, b2)


def kernel(X, embed_table, W, b):
    bsz, seq = X.shape
    v, d = embed_table.shape
    n = bsz * seq
    xt = X.T.astype(jnp.int32)
    idx2d = (xt >> 1).reshape(n // _CH, _CH)
    par = (xt & 1)
    tbl2 = embed_table.reshape(v // 2, 2 * d)
    g = _sc_gather(tbl2, idx2d)
    g3 = g.reshape(seq, bsz, 2 * d)
    pe = _make_pe(seq, d)
    w1t = W[:, :d].T
    wbd = jnp.kron(jnp.eye(2, dtype=W.dtype), w1t)
    out_t = _project_t(g3, par, wbd, W[:, d:].T, pe, b.reshape(1, d))
    return jnp.transpose(out_t, (2, 0, 1))

# --- scband reference (transcript-rebuilt; emitter-appended) ---
"""Pipeline reference for scband-discrete-input-pos-appender-25151328485683 (READ-ONLY COPY).

The authoritative reference and input builder live on the scoring server;
editing this copy changes nothing except your own understanding.
"""

import jax, jax.numpy as jnp
import numpy as np

NUM_EMBEDDINGS = 1000000
EMBED_DIM = 64
BATCH = 4096
SEQ_LEN = 200


def _sinusoidal_pe(seq_len, d_model):
    pos = jnp.arange(seq_len, dtype=jnp.float32)[:, None]
    div = jnp.exp(jnp.arange(0, d_model, 2, dtype=jnp.float32) * (-np.log(10000.0) / d_model))
    pe = jnp.zeros((seq_len, d_model), dtype=jnp.float32)
    pe = pe.at[:, 0::2].set(jnp.sin(pos * div))
    pe = pe.at[:, 1::2].set(jnp.cos(pos * div))
    return pe


def setup_inputs(seed: int = 0) -> dict:
    key = jax.random.key(seed)
    k1, k2, k3, k4 = jax.random.split(key, 4)
    X = jax.random.randint(k1, (BATCH, SEQ_LEN), 0, NUM_EMBEDDINGS, dtype=jnp.int64 if jax.config.jax_enable_x64 else jnp.int32)
    embed_table = jax.random.normal(k2, (NUM_EMBEDDINGS, EMBED_DIM), dtype=jnp.float32)
    # nn.Linear(2*D, D): weight [D, 2D], bias [D]
    bound = 1.0 / np.sqrt(2 * EMBED_DIM)
    W = jax.random.uniform(k3, (EMBED_DIM, 2 * EMBED_DIM), dtype=jnp.float32, minval=-bound, maxval=bound)
    b = jax.random.uniform(k4, (EMBED_DIM,), dtype=jnp.float32, minval=-bound, maxval=bound)
    return {"X": X, "embed_table": embed_table, "W": W, "b": b}


def reference(X, embed_table, W, b):
    # embedding lookup (gather)
    embedding = jnp.take(embed_table, X, axis=0)  # [B, L, D]
    # positional encoding applied to zeros: result is just pe (dropout disabled/eval mode)
    pe = _sinusoidal_pe(X.shape[1], embed_table.shape[1])  # [L, D]
    positional = jnp.broadcast_to(pe[None, :, :], embedding.shape)
    cat = jnp.concatenate((embedding, positional), axis=-1)  # [B, L, 2D]
    out = cat @ W.T + b  # [B, L, D]
    return out

if __name__ == "__main__":
    import jax
    _d = setup_inputs()
    print(jax.jit(kernel)(*tuple(_d.values())))

</pallas_src>

<mosaic_0001>
#map = affine_map<(d0, d1) -> (0, 0)>
module attributes {stable_mosaic.version = 14 : i64} {
  func.func @gather_kernel(%arg0: i32, %arg1: i32, %arg2: memref<500000x128xf32, #tpu.memory_space<hbm>>, %arg3: memref<6400x128xi32, #tpu.memory_space<hbm>>, %arg4: memref<819200x128xf32, #tpu.memory_space<hbm>>, %arg5: memref<200x128xi32, #tpu.memory_space<vmem>>, %arg6: memref<2x256x128xf32, #tpu.memory_space<vmem>>, %arg7: memref<!tpu.dma_semaphore, #tpu.memory_space<semaphore_mem>>, %arg8: memref<!tpu.dma_semaphore, #tpu.memory_space<semaphore_mem>>) attributes {dimension_semantics = [#tpu.dimension_semantics<core_parallel>, #tpu.dimension_semantics<subcore_parallel>], iteration_bounds = array<i64: 2, 16>, scalar_prefetch = 0 : i64, scratch_operands = 4 : i64, tpu.core_type = #tpu.core_type<sc_vector_subcore>, window_params = [{transform_indices = #map}, {transform_indices = #map}, {transform_indices = #map}]} {
    %mul3A = arith.constant 2 : i32
    %mul3A_0 = arith.muli %arg1, %mul3A : i32
    %add3A = arith.addi %mul3A_0, %arg0 : i32
    %mul3A_1 = arith.constant 200 : i32
    %mul3A_2 = arith.muli %add3A, %mul3A_1 : i32
    "tpu.region"() ({
      %run_scoped3A = tpu.sem_alloc : memref<!tpu.dma_semaphore, #tpu.memory_space<semaphore_mem>>
      %dma_start3A_65 = arith.constant 0 : i32
      %dma_start3A_66 = tpu.memref_slice %arg3[%mul3A_2, %dma_start3A_65] : memref<6400x128xi32, #tpu.memory_space<hbm>> -> memref<200x128xi32, #tpu.memory_space<hbm>>
      %dma_start3A_67 = arith.constant 0 : i32
      %dma_start3A_68 = tpu.memref_slice %arg3[%mul3A_2, %dma_start3A_67] : memref<6400x128xi32, #tpu.memory_space<hbm>> -> memref<200x128xi32, #tpu.memory_space<hbm>>
      tpu.enqueue_dma source(%dma_start3A_68 : memref<200x128xi32, #tpu.memory_space<hbm>>) target(%arg5 : memref<200x128xi32, #tpu.memory_space<vmem>>) target_semaphore(%run_scoped3A : memref<!tpu.dma_semaphore, #tpu.memory_space<semaphore_mem>>)
      %dma_wait3A_69 = arith.constant 0 : i32
      %dma_wait3A_70 = tpu.memref_slice %arg3[%mul3A_2, %dma_wait3A_69] : memref<6400x128xi32, #tpu.memory_space<hbm>> -> memref<200x128xi32, #tpu.memory_space<hbm>>
      %dma_wait3A_71 = arith.constant 0 : i32
      %dma_wait3A_72 = tpu.memref_slice %arg3[%mul3A_2, %dma_wait3A_71] : memref<6400x128xi32, #tpu.memory_space<hbm>> -> memref<200x128xi32, #tpu.memory_space<hbm>>
      tpu.wait_dma2 semaphore(%run_scoped3A : memref<!tpu.dma_semaphore, #tpu.memory_space<semaphore_mem>>) src(%dma_wait3A_72 : memref<200x128xi32, #tpu.memory_space<hbm>>) dst(%arg5 : memref<200x128xi32, #tpu.memory_space<vmem>>)
      tpu.yield
    }) : () -> ()
    %dma_start3A = arith.constant 0 : i32
    %dma_start3A_3 = arith.constant 0 : i32
    %dma_start3A_4 = arith.constant 0 : i32
    %dma_start3A_5 = arith.constant 0 : i32
    %dma_start3A_6 = tpu.memref_slice %arg6[%dma_start3A_3, %dma_start3A_4, %dma_start3A_5] : memref<2x256x128xf32, #tpu.memory_space<vmem>> -> memref<1x256x128xf32, #tpu.memory_space<vmem>>
    %dma_start3A_7 = tpu.memref_squeeze %dma_start3A_6 : memref<1x256x128xf32, #tpu.memory_space<vmem>> -> memref<256x128xf32, #tpu.memory_space<vmem>>
    %dma_start3A_8 = arith.constant 0 : i32
    %dma_start3A_9 = arith.constant 0 : i32
    %dma_start3A_10 = tpu.memref_slice %dma_start3A_7[%dma_start3A_8, %dma_start3A_9] : memref<256x128xf32, #tpu.memory_space<vmem>> -> memref<128x128xf32, #tpu.memory_space<vmem>>
    %dma_start3A_11 = arith.constant 0 : i32
    %dma_start3A_12 = tpu.memref_slice %arg5[%dma_start3A, %dma_start3A_11] : memref<200x128xi32, #tpu.memory_space<vmem>> -> memref<1x128xi32, #tpu.memory_space<vmem>>
    %dma_start3A_13 = tpu.memref_squeeze %dma_start3A_12 : memref<1x128xi32, #tpu.memory_space<vmem>> -> memref<128xi32, #tpu.memory_space<vmem>>
    %dma_start3A_14 = arith.constant 0 : i32
    %dma_start3A_15 = arith.constant 0 : i32
    %dma_start3A_16 = tpu.memref_slice %arg2[%dma_start3A_14, %dma_start3A_15] : memref<500000x128xf32, #tpu.memory_space<hbm>> -> memref<500000x128xf32, #tpu.memory_space<hbm>>
    tpu.enqueue_indirect_dma source(%dma_start3A_16 : memref<500000x128xf32, #tpu.memory_space<hbm>>) target(%dma_start3A_10 : memref<128x128xf32, #tpu.memory_space<vmem>>) offsets(%dma_start3A_13 : memref<128xi32, #tpu.memory_space<vmem>>) semaphore(%arg7 : memref<!tpu.dma_semaphore, #tpu.memory_space<semaphore_mem>>)
    %dma_start3A_17 = arith.constant 1 : i32
    %dma_start3A_18 = arith.constant 0 : i32
    %dma_start3A_19 = arith.constant 0 : i32
    %dma_start3A_20 = arith.constant 0 : i32
    %dma_start3A_21 = tpu.memref_slice %arg6[%dma_start3A_18, %dma_start3A_19, %dma_start3A_20] : memref<2x256x128xf32, #tpu.memory_space<vmem>> -> memref<1x256x128xf32, #tpu.memory_space<vmem>>
    %dma_start3A_22 = tpu.memref_squeeze %dma_start3A_21 : memref<1x256x128xf32, #tpu.memory_space<vmem>> -> memref<256x128xf32, #tpu.memory_space<vmem>>
    %dma_start3A_23 = arith.constant 128 : i32
    %dma_start3A_24 = arith.constant 0 : i32
    %dma_start3A_25 = tpu.memref_slice %dma_start3A_22[%dma_start3A_23, %dma_start3A_24] : memref<256x128xf32, #tpu.memory_space<vmem>> -> memref<128x128xf32, #tpu.memory_space<vmem>>
    %dma_start3A_26 = arith.constant 0 : i32
    %dma_start3A_27 = tpu.memref_slice %arg5[%dma_start3A_17, %dma_start3A_26] : memref<200x128xi32, #tpu.memory_space<vmem>> -> memref<1x128xi32, #tpu.memory_space<vmem>>
    %dma_start3A_28 = tpu.memref_squeeze %dma_start3A_27 : memref<1x128xi32, #tpu.memory_space<vmem>> -> memref<128xi32, #tpu.memory_space<vmem>>
    %dma_start3A_29 = arith.constant 0 : i32
    %dma_start3A_30 = arith.constant 0 : i32
    %dma_start3A_31 = tpu.memref_slice %arg2[%dma_start3A_29, %dma_start3A_30] : memref<500000x128xf32, #tpu.memory_space<hbm>> -> memref<500000x128xf32, #tpu.memory_space<hbm>>
    tpu.enqueue_indirect_dma source(%dma_start3A_31 : memref<500000x128xf32, #tpu.memory_space<hbm>>) target(%dma_start3A_25 : memref<128x128xf32, #tpu.memory_space<vmem>>) offsets(%dma_start3A_28 : memref<128xi32, #tpu.memory_space<vmem>>) semaphore(%arg7 : memref<!tpu.dma_semaphore, #tpu.memory_space<semaphore_mem>>)
    %scan3A = arith.constant 0 : i32
    %scan3A_32 = arith.constant 50 : i32
    %scan3A_33 = arith.addi %scan3A, %scan3A_32 : i32
    %scan3A_34 = arith.constant 1 : i32
    scf.for %scan3A_65 = %scan3A to %scan3A_33 step %scan3A_34  : i32 {
      %mul3A_66 = arith.constant 1 : i32
      %mul3A_67 = arith.muli %scan3A_65, %mul3A_66 : i32
      %add3A_68 = arith.constant 0 : i32
      %add3A_69 = arith.addi %add3A_68, %mul3A_67 : i32
      %mul3A_70 = arith.constant 2 : i32
      %mul3A_71 = arith.muli %add3A_69, %mul3A_70 : i32
      %add3A_72 = arith.constant 0 : i32
      %add3A_73 = arith.addi %mul3A_71, %add3A_72 : i32
      %add3A_74 = arith.constant 1 : i32
      %add3A_75 = arith.addi %add3A_73, %add3A_74 : i32
      %min3A = arith.constant 99 : i32
      %min3A_76 = arith.minsi %add3A_75, %min3A : i32
      %dma_wait3A_77 = arith.constant 0 : i32
      %dma_wait3A_78 = arith.constant 0 : i32
      %dma_wait3A_79 = arith.constant 0 : i32
      %dma_wait3A_80 = arith.constant 0 : i32
      %dma_wait3A_81 = tpu.memref_slice %arg6[%dma_wait3A_78, %dma_wait3A_79, %dma_wait3A_80] : memref<2x256x128xf32, #tpu.memory_space<vmem>> -> memref<1x256x128xf32, #tpu.memory_space<vmem>>
      %dma_wait3A_82 = tpu.memref_squeeze %dma_wait3A_81 : memref<1x256x128xf32, #tpu.memory_space<vmem>> -> memref<256x128xf32, #tpu.memory_space<vmem>>
      %dma_wait3A_83 = arith.constant 0 : i32
      %dma_wait3A_84 = arith.constant 0 : i32
      %dma_wait3A_85 = tpu.memref_slice %dma_wait3A_82[%dma_wait3A_83, %dma_wait3A_84] : memref<256x128xf32, #tpu.memory_space<vmem>> -> memref<128x128xf32, #tpu.memory_space<vmem>>
      %dma_wait3A_86 = arith.constant 0 : i32
      %dma_wait3A_87 = tpu.memref_slice %arg5[%dma_wait3A_77, %dma_wait3A_86] : memref<200x128xi32, #tpu.memory_space<vmem>> -> memref<1x128xi32, #tpu.memory_space<vmem>>
      %dma_wait3A_88 = tpu.memref_squeeze %dma_wait3A_87 : memref<1x128xi32, #tpu.memory_space<vmem>> -> memref<128xi32, #tpu.memory_space<vmem>>
      %dma_wait3A_89 = arith.constant 0 : i32
      %dma_wait3A_90 = arith.constant 0 : i32
      %dma_wait3A_91 = tpu.memref_slice %arg2[%dma_wait3A_89, %dma_wait3A_90] : memref<500000x128xf32, #tpu.memory_space<hbm>> -> memref<500000x128xf32, #tpu.memory_space<hbm>>
      tpu.wait_indirect_dma semaphore(%arg7 : memref<!tpu.dma_semaphore, #tpu.memory_space<semaphore_mem>>) src(%dma_wait3A_91 : memref<500000x128xf32, #tpu.memory_space<hbm>>) dst(%dma_wait3A_85 : memref<128x128xf32, #tpu.memory_space<vmem>>)
      %dma_wait3A_92 = arith.constant 0 : i32
      %dma_wait3A_93 = arith.constant 0 : i32
      %dma_wait3A_94 = arith.constant 0 : i32
      %dma_wait3A_95 = arith.constant 0 : i32
      %dma_wait3A_96 = tpu.memref_slice %arg6[%dma_wait3A_93, %dma_wait3A_94, %dma_wait3A_95] : memref<2x256x128xf32, #tpu.memory_space<vmem>> -> memref<1x256x128xf32, #tpu.memory_space<vmem>>
      %dma_wait3A_97 = tpu.memref_squeeze %dma_wait3A_96 : memref<1x256x128xf32, #tpu.memory_space<vmem>> -> memref<256x128xf32, #tpu.memory_space<vmem>>
      %dma_wait3A_98 = arith.constant 128 : i32
      %dma_wait3A_99 = arith.constant 0 : i32
      %dma_wait3A_100 = tpu.memref_slice %dma_wait3A_97[%dma_wait3A_98, %dma_wait3A_99] : memref<256x128xf32, #tpu.memory_space<vmem>> -> memref<128x128xf32, #tpu.memory_space<vmem>>
      %dma_wait3A_101 = arith.constant 0 : i32
      %dma_wait3A_102 = tpu.memref_slice %arg5[%dma_wait3A_92, %dma_wait3A_101] : memref<200x128xi32, #tpu.memory_space<vmem>> -> memref<1x128xi32, #tpu.memory_space<vmem>>
      %dma_wait3A_103 = tpu.memref_squeeze %dma_wait3A_102 : memref<1x128xi32, #tpu.memory_space<vmem>> -> memref<128xi32, #tpu.memory_space<vmem>>
      %dma_wait3A_104 = arith.constant 0 : i32
      %dma_wait3A_105 = arith.constant 0 : i32
      %dma_wait3A_106 = tpu.memref_slice %arg2[%dma_wait3A_104, %dma_wait3A_105] : memref<500000x128xf32, #tpu.memory_space<hbm>> -> memref<500000x128xf32, #tpu.memory_space<hbm>>
      tpu.wait_indirect_dma semaphore(%arg7 : memref<!tpu.dma_semaphore, #tpu.memory_space<semaphore_mem>>) src(%dma_wait3A_106 : memref<500000x128xf32, #tpu.memory_space<hbm>>) dst(%dma_wait3A_100 : memref<128x128xf32, #tpu.memory_space<vmem>>)
      %mul3A_107 = arith.constant 2 : i32
      %mul3A_108 = arith.muli %min3A_76, %mul3A_107 : i32
      %add3A_109 = arith.constant 0 : i32
      %add3A_110 = arith.addi %mul3A_108, %add3A_109 : i32
      %dma_start3A_111 = arith.constant 1 : i32
      %dma_start3A_112 = arith.constant 0 : i32
      %dma_start3A_113 = arith.constant 0 : i32
      %dma_start3A_114 = tpu.memref_slice %arg6[%dma_start3A_111, %dma_start3A_112, %dma_start3A_113] : memref<2x256x128xf32, #tpu.memory_space<vmem>> -> memref<1x256x128xf32, #tpu.memory_space<vmem>>
      %dma_start3A_115 = tpu.memref_squeeze %dma_start3A_114 : memref<1x256x128xf32, #tpu.memory_space<vmem>> -> memref<256x128xf32, #tpu.memory_space<vmem>>
      %dma_start3A_116 = arith.constant 0 : i32
      %dma_start3A_117 = arith.constant 0 : i32
      %dma_start3A_118 = tpu.memref_slice %dma_start3A_115[%dma_start3A_116, %dma_start3A_117] : memref<256x128xf32, #tpu.memory_space<vmem>> -> memref<128x128xf32, #tpu.memory_space<vmem>>
      %dma_start3A_119 = arith.constant 0 : i32
      %dma_start3A_120 = tpu.memref_slice %arg5[%add3A_110, %dma_start3A_119] : memref<200x128xi32, #tpu.memory_space<vmem>> -> memref<1x128xi32, #tpu.memory_space<vmem>>
      %dma_start3A_121 = tpu.memref_squeeze %dma_start3A_120 : memref<1x128xi32, #tpu.memory_space<vmem>> -> memref<128xi32, #tpu.memory_space<vmem>>
      %dma_start3A_122 = arith.constant 0 : i32
      %dma_start3A_123 = arith.constant 0 : i32
      %dma_start3A_124 = tpu.memref_slice %arg2[%dma_start3A_122, %dma_start3A_123] : memref<500000x128xf32, #tpu.memory_space<hbm>> -> memref<500000x128xf32, #tpu.memory_space<hbm>>
      tpu.enqueue_indirect_dma source(%dma_start3A_124 : memref<500000x128xf32, #tpu.memory_space<hbm>>) target(%dma_start3A_118 : memref<128x128xf32, #tpu.memory_space<vmem>>) offsets(%dma_start3A_121 : memref<128xi32, #tpu.memory_space<vmem>>) semaphore(%arg8 : memref<!tpu.dma_semaphore, #tpu.memory_space<semaphore_mem>>)
      %mul3A_125 = arith.constant 2 : i32
      %mul3A_126 = arith.muli %min3A_76, %mul3A_125 : i32
      %add3A_127 = arith.constant 1 : i32
      %add3A_128 = arith.addi %mul3A_126, %add3A_127 : i32
      %dma_start3A_129 = arith.constant 1 : i32
      %dma_start3A_130 = arith.constant 0 : i32
      %dma_start3A_131 = arith.constant 0 : i32
      %dma_start3A_132 = tpu.memref_slice %arg6[%dma_start3A_129, %dma_start3A_130, %dma_start3A_131] : memref<2x256x128xf32, #tpu.memory_space<vmem>> -> memref<1x256x128xf32, #tpu.memory_space<vmem>>
      %dma_start3A_133 = tpu.memref_squeeze %dma_start3A_132 : memref<1x256x128xf32, #tpu.memory_space<vmem>> -> memref<256x128xf32, #tpu.memory_space<vmem>>
      %dma_start3A_134 = arith.constant 128 : i32
      %dma_start3A_135 = arith.constant 0 : i32
      %dma_start3A_136 = tpu.memref_slice %dma_start3A_133[%dma_start3A_134, %dma_start3A_135] : memref<256x128xf32, #tpu.memory_space<vmem>> -> memref<128x128xf32, #tpu.memory_space<vmem>>
      %dma_start3A_137 = arith.constant 0 : i32
      %dma_start3A_138 = tpu.memref_slice %arg5[%add3A_128, %dma_start3A_137] : memref<200x128xi32, #tpu.memory_space<vmem>> -> memref<1x128xi32, #tpu.memory_space<vmem>>
      %dma_start3A_139 = tpu.memref_squeeze %dma_start3A_138 : memref<1x128xi32, #tpu.memory_space<vmem>> -> memref<128xi32, #tpu.memory_space<vmem>>
      %dma_start3A_140 = arith.constant 0 : i32
      %dma_start3A_141 = arith.constant 0 : i32
      %dma_start3A_142 = tpu.memref_slice %arg2[%dma_start3A_140, %dma_start3A_141] : memref<500000x128xf32, #tpu.memory_space<hbm>> -> memref<500000x128xf32, #tpu.memory_space<hbm>>
      tpu.enqueue_indirect_dma source(%dma_start3A_142 : memref<500000x128xf32, #tpu.memory_space<hbm>>) target(%dma_start3A_136 : memref<128x128xf32, #tpu.memory_space<vmem>>) offsets(%dma_start3A_139 : memref<128xi32, #tpu.memory_space<vmem>>) semaphore(%arg8 : memref<!tpu.dma_semaphore, #tpu.memory_space<semaphore_mem>>)
      %mul3A_143 = arith.constant 2 : i32
      %mul3A_144 = arith.muli %add3A_73, %mul3A_143 : i32
      %add3A_145 = arith.addi %mul3A_2, %mul3A_144 : i32
      %mul3A_146 = arith.constant 128 : i32
      %mul3A_147 = arith.muli %add3A_145, %mul3A_146 : i32
      %run_scoped3A = arith.constant 0 : i32
      "tpu.region"() ({
        %run_scoped3A_228 = tpu.sem_alloc : memref<!tpu.dma_semaphore, #tpu.memory_space<semaphore_mem>>
        %dma_start3A_229 = arith.constant 0 : i32
        %dma_start3A_230 = arith.constant 0 : i32
        %dma_start3A_231 = tpu.memref_slice %arg6[%run_scoped3A, %dma_start3A_229, %dma_start3A_230] : memref<2x256x128xf32, #tpu.memory_space<vmem>> -> memref<1x256x128xf32, #tpu.memory_space<vmem>>
        %dma_start3A_232 = tpu.memref_squeeze %dma_start3A_231 : memref<1x256x128xf32, #tpu.memory_space<vmem>> -> memref<256x128xf32, #tpu.memory_space<vmem>>
        %dma_start3A_233 = arith.constant 0 : i32
        %dma_start3A_234 = tpu.memref_slice %arg4[%mul3A_147, %dma_start3A_233] : memref<819200x128xf32, #tpu.memory_space<hbm>> -> memref<256x128xf32, #tpu.memory_space<hbm>>
        %dma_start3A_235 = arith.constant 0 : i32
        %dma_start3A_236 = tpu.memref_slice %arg4[%mul3A_147, %dma_start3A_235] : memref<819200x128xf32, #tpu.memory_space<hbm>> -> memref<256x128xf32, #tpu.memory_space<hbm>>
        %dma_start3A_237 = arith.constant 0 : i32
        %dma_start3A_238 = arith.constant 0 : i32
        %dma_start3A_239 = tpu.memref_slice %arg6[%run_scoped3A, %dma_start3A_237, %dma_start3A_238] : memref<2x256x128xf32, #tpu.memory_space<vmem>> -> memref<1x256x128xf32, #tpu.memory_space<vmem>>
        %dma_start3A_240 = tpu.memref_squeeze %dma_start3A_239 : memref<1x256x128xf32, #tpu.memory_space<vmem>> -> memref<256x128xf32, #tpu.memory_space<vmem>>
        tpu.enqueue_dma source(%dma_start3A_240 : memref<256x128xf32, #tpu.memory_space<vmem>>) target(%dma_start3A_236 : memref<256x128xf32, #tpu.memory_space<hbm>>) target_semaphore(%run_scoped3A_228 : memref<!tpu.dma_semaphore, #tpu.memory_space<semaphore_mem>>)
        %dma_wait3A_241 = arith.constant 0 : i32
        %dma_wait3A_242 = arith.constant 0 : i32
        %dma_wait3A_243 = tpu.memref_slice %arg6[%run_scoped3A, %dma_wait3A_241, %dma_wait3A_242] : memref<2x256x128xf32, #tpu.memory_space<vmem>> -> memref<1x256x128xf32, #tpu.memory_space<vmem>>
        %dma_wait3A_244 = tpu.memref_squeeze %dma_wait3A_243 : memref<1x256x128xf32, #tpu.memory_space<vmem>> -> memref<256x128xf32, #tpu.memory_space<vmem>>
        %dma_wait3A_245 = arith.constant 0 : i32
        %dma_wait3A_246 = tpu.memref_slice %arg4[%mul3A_147, %dma_wait3A_245] : memref<819200x128xf32, #tpu.memory_space<hbm>> -> memref<256x128xf32, #tpu.memory_space<hbm>>
        %dma_wait3A_247 = arith.constant 0 : i32
        %dma_wait3A_248 = tpu.memref_slice %arg4[%mul3A_147, %dma_wait3A_247] : memref<819200x128xf32, #tpu.memory_space<hbm>> -> memref<256x128xf32, #tpu.memory_space<hbm>>
        %dma_wait3A_249 = arith.constant 0 : i32
        %dma_wait3A_250 = arith.constant 0 : i32
        %dma_wait3A_251 = tpu.memref_slice %arg6[%run_scoped3A, %dma_wait3A_249, %dma_wait3A_250] : memref<2x256x128xf32, #tpu.memory_space<vmem>> -> memref<1x256x128xf32, #tpu.memory_space<vmem>>
        %dma_wait3A_252 = tpu.memref_squeeze %dma_wait3A_251 : memref<1x256x128xf32, #tpu.memory_space<vmem>> -> memref<256x128xf32, #tpu.memory_space<vmem>>
        tpu.wait_dma2 semaphore(%run_scoped3A_228 : memref<!tpu.dma_semaphore, #tpu.memory_space<semaphore_mem>>) src(%dma_wait3A_252 : memref<256x128xf32, #tpu.memory_space<vmem>>) dst(%dma_wait3A_248 : memref<256x128xf32, #tpu.memory_space<hbm>>)
        tpu.yield
      }) : () -> ()
      %mul3A_148 = arith.constant 2 : i32
      %mul3A_149 = arith.muli %add3A_69, %mul3A_148 : i32
      %add3A_150 = arith.constant 1 : i32
      %add3A_151 = arith.addi %mul3A_149, %add3A_150 : i32
      %add3A_152 = arith.constant 1 : i32
      %add3A_153 = arith.addi %add3A_151, %add3A_152 : i32
      %min3A_154 = arith.constant 99 : i32
      %min3A_155 = arith.minsi %add3A_153, %min3A_154 : i32
      %dma_wait3A_156 = arith.constant 0 : i32
      %dma_wait3A_157 = arith.constant 1 : i32
      %dma_wait3A_158 = arith.constant 0 : i32
      %dma_wait3A_159 = arith.constant 0 : i32
      %dma_wait3A_160 = tpu.memref_slice %arg6[%dma_wait3A_157, %dma_wait3A_158, %dma_wait3A_159] : memref<2x256x128xf32, #tpu.memory_space<vmem>> -> memref<1x256x128xf32, #tpu.memory_space<vmem>>
      %dma_wait3A_161 = tpu.memref_squeeze %dma_wait3A_160 : memref<1x256x128xf32, #tpu.memory_space<vmem>> -> memref<256x128xf32, #tpu.memory_space<vmem>>
      %dma_wait3A_162 = arith.constant 0 : i32
      %dma_wait3A_163 = arith.constant 0 : i32
      %dma_wait3A_164 = tpu.memref_slice %dma_wait3A_161[%dma_wait3A_162, %dma_wait3A_163] : memref<256x128xf32, #tpu.memory_space<vmem>> -> memref<128x128xf32, #tpu.memory_space<vmem>>
      %dma_wait3A_165 = arith.constant 0 : i32
      %dma_wait3A_166 = tpu.memref_slice %arg5[%dma_wait3A_156, %dma_wait3A_165] : memref<200x128xi32, #tpu.memory_space<vmem>> -> memref<1x128xi32, #tpu.memory_space<vmem>>
      %dma_wait3A_167 = tpu.memref_squeeze %dma_wait3A_166 : memref<1x128xi32, #tpu.memory_space<vmem>> -> memref<128xi32, #tpu.memory_space<vmem>>
      %dma_wait3A_168 = arith.constant 0 : i32
      %dma_wait3A_169 = arith.constant 0 : i32
      %dma_wait3A_170 = tpu.memref_slice %arg2[%dma_wait3A_168, %dma_wait3A_169] : memref<500000x128xf32, #tpu.memory_space<hbm>> -> memref<500000x128xf32, #tpu.memory_space<hbm>>
      tpu.wait_indirect_dma semaphore(%arg8 : memref<!tpu.dma_semaphore, #tpu.memory_space<semaphore_mem>>) src(%dma_wait3A_170 : memref<500000x128xf32, #tpu.memory_space<hbm>>) dst(%dma_wait3A_164 : memref<128x128xf32, #tpu.memory_space<vmem>>)
      %dma_wait3A_171 = arith.constant 0 : i32
      %dma_wait3A_172 = arith.constant 1 : i32
      %dma_wait3A_173 = arith.constant 0 : i32
      %dma_wait3A_174 = arith.constant 0 : i32
      %dma_wait3A_175 = tpu.memref_slice %arg6[%dma_wait3A_172, %dma_wait3A_173, %dma_wait3A_174] : memref<2x256x128xf32, #tpu.memory_space<vmem>> -> memref<1x256x128xf32, #tpu.memory_space<vmem>>
      %dma_wait3A_176 = tpu.memref_squeeze %dma_wait3A_175 : memref<1x256x128xf32, #tpu.memory_space<vmem>> -> memref<256x128xf32, #tpu.memory_space<vmem>>
      %dma_wait3A_177 = arith.constant 128 : i32
      %dma_wait3A_178 = arith.constant 0 : i32
      %dma_wait3A_179 = tpu.memref_slice %dma_wait3A_176[%dma_wait3A_177, %dma_wait3A_178] : memref<256x128xf32, #tpu.memory_space<vmem>> -> memref<128x128xf32, #tpu.memory_space<vmem>>
      %dma_wait3A_180 = arith.constant 0 : i32
      %dma_wait3A_181 = tpu.memref_slice %arg5[%dma_wait3A_171, %dma_wait3A_180] : memref<200x128xi32, #tpu.memory_space<vmem>> -> memref<1x128xi32, #tpu.memory_space<vmem>>
      %dma_wait3A_182 = tpu.memref_squeeze %dma_wait3A_181 : memref<1x128xi32, #tpu.memory_space<vmem>> -> memref<128xi32, #tpu.memory_space<vmem>>
      %dma_wait3A_183 = arith.constant 0 : i32
      %dma_wait3A_184 = arith.constant 0 : i32
      %dma_wait3A_185 = tpu.memref_slice %arg2[%dma_wait3A_183, %dma_wait3A_184] : memref<500000x128xf32, #tpu.memory_space<hbm>> -> memref<500000x128xf32, #tpu.memory_space<hbm>>
      tpu.wait_indirect_dma semaphore(%arg8 : memref<!tpu.dma_semaphore, #tpu.memory_space<semaphore_mem>>) src(%dma_wait3A_185 : memref<500000x128xf32, #tpu.memory_space<hbm>>) dst(%dma_wait3A_179 : memref<128x128xf32, #tpu.memory_space<vmem>>)
      %mul3A_186 = arith.constant 2 : i32
      %mul3A_187 = arith.muli %min3A_155, %mul3A_186 : i32
      %add3A_188 = arith.constant 0 : i32
      %add3A_189 = arith.addi %mul3A_187, %add3A_188 : i32
      %dma_start3A_190 = arith.constant 0 : i32
      %dma_start3A_191 = arith.constant 0 : i32
      %dma_start3A_192 = arith.constant 0 : i32
      %dma_start3A_193 = tpu.memref_slice %arg6[%dma_start3A_190, %dma_start3A_191, %dma_start3A_192] : memref<2x256x128xf32, #tpu.memory_space<vmem>> -> memref<1x256x128xf32, #tpu.memory_space<vmem>>
      %dma_start3A_194 = tpu.memref_squeeze %dma_start3A_193 : memref<1x256x128xf32, #tpu.memory_space<vmem>> -> memref<256x128xf32, #tpu.memory_space<vmem>>
      %dma_start3A_195 = arith.constant 0 : i32
      %dma_start3A_196 = arith.constant 0 : i32
      %dma_start3A_197 = tpu.memref_slice %dma_start3A_194[%dma_start3A_195, %dma_start3A_196] : memref<256x128xf32, #tpu.memory_space<vmem>> -> memref<128x128xf32, #tpu.memory_space<vmem>>
      %dma_start3A_198 = arith.constant 0 : i32
      %dma_start3A_199 = tpu.memref_slice %arg5[%add3A_189, %dma_start3A_198] : memref<200x128xi32, #tpu.memory_space<vmem>> -> memref<1x128xi32, #tpu.memory_space<vmem>>
      %dma_start3A_200 = tpu.memref_squeeze %dma_start3A_199 : memref<1x128xi32, #tpu.memory_space<vmem>> -> memref<128xi32, #tpu.memory_space<vmem>>
      %dma_start3A_201 = arith.constant 0 : i32
      %dma_start3A_202 = arith.constant 0 : i32
      %dma_start3A_203 = tpu.memref_slice %arg2[%dma_start3A_201, %dma_start3A_202] : memref<500000x128xf32, #tpu.memory_space<hbm>> -> memref<500000x128xf32, #tpu.memory_space<hbm>>
      tpu.enqueue_indirect_dma source(%dma_start3A_203 : memref<500000x128xf32, #tpu.memory_space<hbm>>) target(%dma_start3A_197 : memref<128x128xf32, #tpu.memory_space<vmem>>) offsets(%dma_start3A_200 : memref<128xi32, #tpu.memory_space<vmem>>) semaphore(%arg7 : memref<!tpu.dma_semaphore, #tpu.memory_space<semaphore_mem>>)
      %mul3A_204 = arith.constant 2 : i32
      %mul3A_205 = arith.muli %min3A_155, %mul3A_204 : i32
      %add3A_206 = arith.constant 1 : i32
      %add3A_207 = arith.addi %mul3A_205, %add3A_206 : i32
      %dma_start3A_208 = arith.constant 0 : i32
      %dma_start3A_209 = arith.constant 0 : i32
      %dma_start3A_210 = arith.constant 0 : i32
      %dma_start3A_211 = tpu.memref_slice %arg6[%dma_start3A_208, %dma_start3A_209, %dma_start3A_210] : memref<2x256x128xf32, #tpu.memory_space<vmem>> -> memref<1x256x128xf32, #tpu.memory_space<vmem>>
      %dma_start3A_212 = tpu.memref_squeeze %dma_start3A_211 : memref<1x256x128xf32, #tpu.memory_space<vmem>> -> memref<256x128xf32, #tpu.memory_space<vmem>>
      %dma_start3A_213 = arith.constant 128 : i32
      %dma_start3A_214 = arith.constant 0 : i32
      %dma_start3A_215 = tpu.memref_slice %dma_start3A_212[%dma_start3A_213, %dma_start3A_214] : memref<256x128xf32, #tpu.memory_space<vmem>> -> memref<128x128xf32, #tpu.memory_space<vmem>>
      %dma_start3A_216 = arith.constant 0 : i32
      %dma_start3A_217 = tpu.memref_slice %arg5[%add3A_207, %dma_start3A_216] : memref<200x128xi32, #tpu.memory_space<vmem>> -> memref<1x128xi32, #tpu.memory_space<vmem>>
      %dma_start3A_218 = tpu.memref_squeeze %dma_start3A_217 : memref<1x128xi32, #tpu.memory_space<vmem>> -> memref<128xi32, #tpu.memory_space<vmem>>
      %dma_start3A_219 = arith.constant 0 : i32
      %dma_start3A_220 = arith.constant 0 : i32
      %dma_start3A_221 = tpu.memref_slice %arg2[%dma_start3A_219, %dma_start3A_220] : memref<500000x128xf32, #tpu.memory_space<hbm>> -> memref<500000x128xf32, #tpu.memory_space<hbm>>
      tpu.enqueue_indirect_dma source(%dma_start3A_221 : memref<500000x128xf32, #tpu.memory_space<hbm>>) target(%dma_start3A_215 : memref<128x128xf32, #tpu.memory_space<vmem>>) offsets(%dma_start3A_218 : memref<128xi32, #tpu.memory_space<vmem>>) semaphore(%arg7 : memref<!tpu.dma_semaphore, #tpu.memory_space<semaphore_mem>>)
      %mul3A_222 = arith.constant 2 : i32
      %mul3A_223 = arith.muli %add3A_151, %mul3A_222 : i32
      %add3A_224 = arith.addi %mul3A_2, %mul3A_223 : i32
      %mul3A_225 = arith.constant 128 : i32
      %mul3A_226 = arith.muli %add3A_224, %mul3A_225 : i32
      %run_scoped3A_227 = arith.constant 1 : i32
      "tpu.region"() ({
        %run_scoped3A_228 = tpu.sem_alloc : memref<!tpu.dma_semaphore, #tpu.memory_space<semaphore_mem>>
        %dma_start3A_229 = arith.constant 0 : i32
        %dma_start3A_230 = arith.constant 0 : i32
        %dma_start3A_231 = tpu.memref_slice %arg6[%run_scoped3A_227, %dma_start3A_229, %dma_start3A_230] : memref<2x256x128xf32, #tpu.memory_space<vmem>> -> memref<1x256x128xf32, #tpu.memory_space<vmem>>
        %dma_start3A_232 = tpu.memref_squeeze %dma_start3A_231 : memref<1x256x128xf32, #tpu.memory_space<vmem>> -> memref<256x128xf32, #tpu.memory_space<vmem>>
        %dma_start3A_233 = arith.constant 0 : i32
        %dma_start3A_234 = tpu.memref_slice %arg4[%mul3A_226, %dma_start3A_233] : memref<819200x128xf32, #tpu.memory_space<hbm>> -> memref<256x128xf32, #tpu.memory_space<hbm>>
        %dma_start3A_235 = arith.constant 0 : i32
        %dma_start3A_236 = tpu.memref_slice %arg4[%mul3A_226, %dma_start3A_235] : memref<819200x128xf32, #tpu.memory_space<hbm>> -> memref<256x128xf32, #tpu.memory_space<hbm>>
        %dma_start3A_237 = arith.constant 0 : i32
        %dma_start3A_238 = arith.constant 0 : i32
        %dma_start3A_239 = tpu.memref_slice %arg6[%run_scoped3A_227, %dma_start3A_237, %dma_start3A_238] : memref<2x256x128xf32, #tpu.memory_space<vmem>> -> memref<1x256x128xf32, #tpu.memory_space<vmem>>
        %dma_start3A_240 = tpu.memref_squeeze %dma_start3A_239 : memref<1x256x128xf32, #tpu.memory_space<vmem>> -> memref<256x128xf32, #tpu.memory_space<vmem>>
        tpu.enqueue_dma source(%dma_start3A_240 : memref<256x128xf32, #tpu.memory_space<vmem>>) target(%dma_start3A_236 : memref<256x128xf32, #tpu.memory_space<hbm>>) target_semaphore(%run_scoped3A_228 : memref<!tpu.dma_semaphore, #tpu.memory_space<semaphore_mem>>)
        %dma_wait3A_241 = arith.constant 0 : i32
        %dma_wait3A_242 = arith.constant 0 : i32
        %dma_wait3A_243 = tpu.memref_slice %arg6[%run_scoped3A_227, %dma_wait3A_241, %dma_wait3A_242] : memref<2x256x128xf32, #tpu.memory_space<vmem>> -> memref<1x256x128xf32, #tpu.memory_space<vmem>>
        %dma_wait3A_244 = tpu.memref_squeeze %dma_wait3A_243 : memref<1x256x128xf32, #tpu.memory_space<vmem>> -> memref<256x128xf32, #tpu.memory_space<vmem>>
        %dma_wait3A_245 = arith.constant 0 : i32
        %dma_wait3A_246 = tpu.memref_slice %arg4[%mul3A_226, %dma_wait3A_245] : memref<819200x128xf32, #tpu.memory_space<hbm>> -> memref<256x128xf32, #tpu.memory_space<hbm>>
        %dma_wait3A_247 = arith.constant 0 : i32
        %dma_wait3A_248 = tpu.memref_slice %arg4[%mul3A_226, %dma_wait3A_247] : memref<819200x128xf32, #tpu.memory_space<hbm>> -> memref<256x128xf32, #tpu.memory_space<hbm>>
        %dma_wait3A_249 = arith.constant 0 : i32
        %dma_wait3A_250 = arith.constant 0 : i32
        %dma_wait3A_251 = tpu.memref_slice %arg6[%run_scoped3A_227, %dma_wait3A_249, %dma_wait3A_250] : memref<2x256x128xf32, #tpu.memory_space<vmem>> -> memref<1x256x128xf32, #tpu.memory_space<vmem>>
        %dma_wait3A_252 = tpu.memref_squeeze %dma_wait3A_251 : memref<1x256x128xf32, #tpu.memory_space<vmem>> -> memref<256x128xf32, #tpu.memory_space<vmem>>
        tpu.wait_dma2 semaphore(%run_scoped3A_228 : memref<!tpu.dma_semaphore, #tpu.memory_space<semaphore_mem>>) src(%dma_wait3A_252 : memref<256x128xf32, #tpu.memory_space<vmem>>) dst(%dma_wait3A_248 : memref<256x128xf32, #tpu.memory_space<hbm>>)
        tpu.yield
      }) : () -> ()
    }
    %scan3A_35 = arith.constant 50 : i32
    %dma_wait3A = arith.constant 0 : i32
    %dma_wait3A_36 = arith.constant 0 : i32
    %dma_wait3A_37 = arith.constant 0 : i32
    %dma_wait3A_38 = arith.constant 0 : i32
    %dma_wait3A_39 = tpu.memref_slice %arg6[%dma_wait3A_36, %dma_wait3A_37, %dma_wait3A_38] : memref<2x256x128xf32, #tpu.memory_space<vmem>> -> memref<1x256x128xf32, #tpu.memory_space<vmem>>
    %dma_wait3A_40 = tpu.memref_squeeze %dma_wait3A_39 : memref<1x256x128xf32, #tpu.memory_space<vmem>> -> memref<256x128xf32, #tpu.memory_space<vmem>>
    %dma_wait3A_41 = arith.constant 0 : i32
    %dma_wait3A_42 = arith.constant 0 : i32
    %dma_wait3A_43 = tpu.memref_slice %dma_wait3A_40[%dma_wait3A_41, %dma_wait3A_42] : memref<256x128xf32, #tpu.memory_space<vmem>> -> memref<128x128xf32, #tpu.memory_space<vmem>>
    %dma_wait3A_44 = arith.constant 0 : i32
    %dma_wait3A_45 = tpu.memref_slice %arg5[%dma_wait3A, %dma_wait3A_44] : memref<200x128xi32, #tpu.memory_space<vmem>> -> memref<1x128xi32, #tpu.memory_space<vmem>>
    %dma_wait3A_46 = tpu.memref_squeeze %dma_wait3A_45 : memref<1x128xi32, #tpu.memory_space<vmem>> -> memref<128xi32, #tpu.memory_space<vmem>>
    %dma_wait3A_47 = arith.constant 0 : i32
    %dma_wait3A_48 = arith.constant 0 : i32
    %dma_wait3A_49 = tpu.memref_slice %arg2[%dma_wait3A_47, %dma_wait3A_48] : memref<500000x128xf32, #tpu.memory_space<hbm>> -> memref<500000x128xf32, #tpu.memory_space<hbm>>
    tpu.wait_indirect_dma semaphore(%arg7 : memref<!tpu.dma_semaphore, #tpu.memory_space<semaphore_mem>>) src(%dma_wait3A_49 : memref<500000x128xf32, #tpu.memory_space<hbm>>) dst(%dma_wait3A_43 : memref<128x128xf32, #tpu.memory_space<vmem>>)
    %dma_wait3A_50 = arith.constant 0 : i32
    %dma_wait3A_51 = arith.constant 0 : i32
    %dma_wait3A_52 = arith.constant 0 : i32
    %dma_wait3A_53 = arith.constant 0 : i32
    %dma_wait3A_54 = tpu.memref_slice %arg6[%dma_wait3A_51, %dma_wait3A_52, %dma_wait3A_53] : memref<2x256x128xf32, #tpu.memory_space<vmem>> -> memref<1x256x128xf32, #tpu.memory_space<vmem>>
    %dma_wait3A_55 = tpu.memref_squeeze %dma_wait3A_54 : memref<1x256x128xf32, #tpu.memory_space<vmem>> -> memref<256x128xf32, #tpu.memory_space<vmem>>
    %dma_wait3A_56 = arith.constant 128 : i32
    %dma_wait3A_57 = arith.constant 0 : i32
    %dma_wait3A_58 = tpu.memref_slice %dma_wait3A_55[%dma_wait3A_56, %dma_wait3A_57] : memref<256x128xf32, #tpu.memory_space<vmem>> -> memref<128x128xf32, #tpu.memory_space<vmem>>
    %dma_wait3A_59 = arith.constant 0 : i32
    %dma_wait3A_60 = tpu.memref_slice %arg5[%dma_wait3A_50, %dma_wait3A_59] : memref<200x128xi32, #tpu.memory_space<vmem>> -> memref<1x128xi32, #tpu.memory_space<vmem>>
    %dma_wait3A_61 = tpu.memref_squeeze %dma_wait3A_60 : memref<1x128xi32, #tpu.memory_space<vmem>> -> memref<128xi32, #tpu.memory_space<vmem>>
    %dma_wait3A_62 = arith.constant 0 : i32
    %dma_wait3A_63 = arith.constant 0 : i32
    %dma_wait3A_64 = tpu.memref_slice %arg2[%dma_wait3A_62, %dma_wait3A_63] : memref<500000x128xf32, #tpu.memory_space<hbm>> -> memref<500000x128xf32, #tpu.memory_space<hbm>>
    tpu.wait_indirect_dma semaphore(%arg7 : memref<!tpu.dma_semaphore, #tpu.memory_space<semaphore_mem>>) src(%dma_wait3A_64 : memref<500000x128xf32, #tpu.memory_space<hbm>>) dst(%dma_wait3A_58 : memref<128x128xf32, #tpu.memory_space<vmem>>)
    return
  }
}

module attributes {stable_mosaic.version = 14 : i64} {
  func.func @body(%arg0: i32, %arg1: memref<4x4096x128xf32, #tpu.memory_space<vmem>>, %arg2: memref<1x4x4096xi32, #tpu.memory_space<vmem>>, %arg3: memref<128x128xf32, #tpu.memory_space<vmem>>, %arg4: memref<64x64xf32, #tpu.memory_space<vmem>>, %arg5: memref<200x64xf32, #tpu.memory_space<vmem>>, %arg6: memref<1x64xf32, #tpu.memory_space<vmem>>, %arg7: memref<4x64x4096xf32, #tpu.memory_space<vmem>>) attributes {dimension_semantics = [#tpu.dimension_semantics<arbitrary>], iteration_bounds = array<i64: 50>, scalar_prefetch = 0 : i64, scratch_operands = 0 : i64, tpu.core_type = #tpu.core_type<tc>, window_params = [{transform_indices = @transform_0, window_bounds = array<i64: 4, 4096, 128>}, {transform_indices = @transform_1, window_bounds = array<i64: 1, 4, 4096>}, {pipeline_mode = #tpu.pipeline_mode<synchronous>, transform_indices = @transform_2, window_bounds = array<i64: 128, 128>}, {pipeline_mode = #tpu.pipeline_mode<synchronous>, transform_indices = @transform_3, window_bounds = array<i64: 64, 64>}, {pipeline_mode = #tpu.pipeline_mode<synchronous>, transform_indices = @transform_4, window_bounds = array<i64: 200, 64>}, {pipeline_mode = #tpu.pipeline_mode<synchronous>, transform_indices = @transform_5, window_bounds = array<i64: 1, 64>}, {transform_indices = @transform_6, window_bounds = array<i64: 4, 64, 4096>}]} {
    %mul3A = arith.constant 4 : i32
    %mul3A_0 = arith.muli %arg0, %mul3A : i32
    %get3A = arith.index_cast %mul3A_0 : i32 to index
    %get3A_1 = arith.constant 0 : index
    %get3A_2 = vector.load %arg5[%get3A, %get3A_1] : memref<200x64xf32, #tpu.memory_space<vmem>>, vector<4x64xf32>
    %get3A_3 = arith.constant 0 : index
    %get3A_4 = arith.constant 0 : index
    %get3A_5 = vector.load %arg4[%get3A_3, %get3A_4] : memref<64x64xf32, #tpu.memory_space<vmem>>, vector<64x64xf32>
    %dot_general3A = arith.constant dense<0.000000e+00> : vector<4x64xf32>
    %dot_general3A_6 = tpu.matmul %get3A_2, %get3A_5, %dot_general3A {dimension_numbers = #tpu.dot_dimension_numbers<[1], [0], [0], [1], [0, 0, 1, 1], [], []>, transpose_lhs_hint = false} : vector<4x64xf32>, vector<64x64xf32>, vector<4x64xf32> -> vector<4x64xf32>
    %get3A_7 = arith.constant 0 : index
    %get3A_8 = arith.constant 0 : index
    %get3A_9 = vector.load %arg6[%get3A_7, %get3A_8] : memref<1x64xf32, #tpu.memory_space<vmem>>, vector<1x64xf32>
    %add3A = vector.broadcast %get3A_9 : vector<1x64xf32> to vector<4x64xf32>
    %add3A_10 = arith.addf %dot_general3A_6, %add3A : vector<4x64xf32>
    %get3A_11 = arith.constant 0 : index
    %get3A_12 = arith.constant 0 : index
    %get3A_13 = arith.constant 0 : index
    %get3A_14 = vector.load %arg1[%get3A_11, %get3A_12, %get3A_13] : memref<4x4096x128xf32, #tpu.memory_space<vmem>>, vector<4x4096x128xf32>
    %get3A_15 = arith.constant 0 : index
    %get3A_16 = arith.constant 0 : index
    %get3A_17 = arith.constant 0 : index
    %get3A_18 = vector.load %arg2[%get3A_15, %get3A_16, %get3A_17] : memref<1x4x4096xi32, #tpu.memory_space<vmem>>, vector<1x4x4096xi32>
    %get3A_19 = vector.shape_cast %get3A_18 : vector<1x4x4096xi32> to vector<4x4096xi32>
    %get3A_20 = arith.constant 0 : index
    %get3A_21 = arith.constant 0 : index
    %get3A_22 = vector.load %arg3[%get3A_20, %get3A_21] : memref<128x128xf32, #tpu.memory_space<vmem>>, vector<128x128xf32>
    %slice3A = vector.extract_strided_slice %get3A_14 {offsets = [0, 0, 0], sizes = [1, 4096, 128], strides = [1, 1, 1]} : vector<4x4096x128xf32> to vector<1x4096x128xf32>
    %squeeze3A = vector.shape_cast %slice3A : vector<1x4096x128xf32> to vector<4096x128xf32>
    %dot_general3A_23 = arith.constant dense<0.000000e+00> : vector<128x4096xf32>
    %dot_general3A_24 = tpu.matmul %get3A_22, %squeeze3A, %dot_general3A_23 {dimension_numbers = #tpu.dot_dimension_numbers<[0], [1], [1], [0], [0, 1, 1, 0], [], []>, transpose_lhs_hint = false} : vector<128x128xf32>, vector<4096x128xf32>, vector<128x4096xf32> -> vector<128x4096xf32>
    %slice3A_25 = vector.extract_strided_slice %get3A_19 {offsets = [0, 0], sizes = [1, 4096], strides = [1, 1]} : vector<4x4096xi32> to vector<1x4096xi32>
    %squeeze3A_26 = vector.shape_cast %slice3A_25 : vector<1x4096xi32> to vector<4096xi32>
    %broadcast_in_dim3A = vector.shape_cast %squeeze3A_26 : vector<4096xi32> to vector<1x4096xi32>
    %ne3A = arith.constant 0 : i32
    %ne3A_27 = vector.broadcast %ne3A : i32 to vector<1x4096xi32>
    %ne3A_28 = arith.cmpi ne, %broadcast_in_dim3A, %ne3A_27 : vector<1x4096xi32>
    %slice3A_29 = vector.extract_strided_slice %dot_general3A_24 {offsets = [64, 0], sizes = [64, 4096], strides = [1, 1]} : vector<128x4096xf32> to vector<64x4096xf32>
    %slice3A_30 = vector.extract_strided_slice %dot_general3A_24 {offsets = [0, 0], sizes = [64, 4096], strides = [1, 1]} : vector<128x4096xf32> to vector<64x4096xf32>
    %broadcast_in_dim3A_31 = vector.shape_cast %ne3A_28 : vector<1x4096xi1> to vector<1x4096xi1>
    %broadcast_in_dim3A_32 = vector.broadcast %broadcast_in_dim3A_31 : vector<1x4096xi1> to vector<64x4096xi1>
    %select_n3A = arith.select %broadcast_in_dim3A_32, %slice3A_29, %slice3A_30 : vector<64x4096xi1>, vector<64x4096xf32>
    %slice3A_33 = vector.extract_strided_slice %add3A_10 {offsets = [0, 0], sizes = [1, 64], strides = [1, 1]} : vector<4x64xf32> to vector<1x64xf32>
    %squeeze3A_34 = vector.shape_cast %slice3A_33 : vector<1x64xf32> to vector<64xf32>
    %broadcast_in_dim3A_35 = vector.shape_cast %squeeze3A_34 : vector<64xf32> to vector<64x1xf32>
    %add3A_36 = vector.broadcast %broadcast_in_dim3A_35 : vector<64x1xf32> to vector<64x4096xf32>
    %add3A_37 = arith.addf %select_n3A, %add3A_36 : vector<64x4096xf32>
    %swap3A = arith.constant 0 : index
    %swap3A_38 = arith.constant 0 : index
    %swap3A_39 = arith.constant 0 : index
    %swap3A_40 = vector.load %arg7[%swap3A, %swap3A_38, %swap3A_39] : memref<4x64x4096xf32, #tpu.memory_space<vmem>>, vector<1x64x4096xf32>
    %swap3A_41 = vector.shape_cast %swap3A_40 : vector<1x64x4096xf32> to vector<64x4096xf32>
    %swap3A_42 = vector.shape_cast %add3A_37 : vector<64x4096xf32> to vector<1x64x4096xf32>
    tpu.vector_store %arg7[%swap3A, %swap3A_38, %swap3A_39], %swap3A_42 {strides = array<i32>} : memref<4x64x4096xf32, #tpu.memory_space<vmem>>, vector<1x64x4096xf32>,
    %get3A_43 = arith.constant 0 : index
    %get3A_44 = arith.constant 0 : index
    %get3A_45 = vector.load %arg3[%get3A_43, %get3A_44] : memref<128x128xf32, #tpu.memory_space<vmem>>, vector<128x128xf32>
    %slice3A_46 = vector.extract_strided_slice %get3A_14 {offsets = [1, 0, 0], sizes = [1, 4096, 128], strides = [1, 1, 1]} : vector<4x4096x128xf32> to vector<1x4096x128xf32>
    %squeeze3A_47 = vector.shape_cast %slice3A_46 : vector<1x4096x128xf32> to vector<4096x128xf32>
    %dot_general3A_48 = arith.constant dense<0.000000e+00> : vector<128x4096xf32>
    %dot_general3A_49 = tpu.matmul %get3A_45, %squeeze3A_47, %dot_general3A_48 {dimension_numbers = #tpu.dot_dimension_numbers<[0], [1], [1], [0], [0, 1, 1, 0], [], []>, transpose_lhs_hint = false} : vector<128x128xf32>, vector<4096x128xf32>, vector<128x4096xf32> -> vector<128x4096xf32>
    %slice3A_50 = vector.extract_strided_slice %get3A_19 {offsets = [1, 0], sizes = [1, 4096], strides = [1, 1]} : vector<4x4096xi32> to vector<1x4096xi32>
    %squeeze3A_51 = vector.shape_cast %slice3A_50 : vector<1x4096xi32> to vector<4096xi32>
    %broadcast_in_dim3A_52 = vector.shape_cast %squeeze3A_51 : vector<4096xi32> to vector<1x4096xi32>
    %ne3A_53 = arith.constant 0 : i32
    %ne3A_54 = vector.broadcast %ne3A_53 : i32 to vector<1x4096xi32>
    %ne3A_55 = arith.cmpi ne, %broadcast_in_dim3A_52, %ne3A_54 : vector<1x4096xi32>
    %slice3A_56 = vector.extract_strided_slice %dot_general3A_49 {offsets = [64, 0], sizes = [64, 4096], strides = [1, 1]} : vector<128x4096xf32> to vector<64x4096xf32>
    %slice3A_57 = vector.extract_strided_slice %dot_general3A_49 {offsets = [0, 0], sizes = [64, 4096], strides = [1, 1]} : vector<128x4096xf32> to vector<64x4096xf32>
    %broadcast_in_dim3A_58 = vector.shape_cast %ne3A_55 : vector<1x4096xi1> to vector<1x4096xi1>
    %broadcast_in_dim3A_59 = vector.broadcast %broadcast_in_dim3A_58 : vector<1x4096xi1> to vector<64x4096xi1>
    %select_n3A_60 = arith.select %broadcast_in_dim3A_59, %slice3A_56, %slice3A_57 : vector<64x4096xi1>, vector<64x4096xf32>
    %slice3A_61 = vector.extract_strided_slice %add3A_10 {offsets = [1, 0], sizes = [1, 64], strides = [1, 1]} : vector<4x64xf32> to vector<1x64xf32>
    %squeeze3A_62 = vector.shape_cast %slice3A_61 : vector<1x64xf32> to vector<64xf32>
    %broadcast_in_dim3A_63 = vector.shape_cast %squeeze3A_62 : vector<64xf32> to vector<64x1xf32>
    %add3A_64 = vector.broadcast %broadcast_in_dim3A_63 : vector<64x1xf32> to vector<64x4096xf32>
    %add3A_65 = arith.addf %select_n3A_60, %add3A_64 : vector<64x4096xf32>
    %swap3A_66 = arith.constant 1 : index
    %swap3A_67 = arith.constant 0 : index
    %swap3A_68 = arith.constant 0 : index
    %swap3A_69 = vector.load %arg7[%swap3A_66, %swap3A_67, %swap3A_68] : memref<4x64x4096xf32, #tpu.memory_space<vmem>>, vector<1x64x4096xf32>
    %swap3A_70 = vector.shape_cast %swap3A_69 : vector<1x64x4096xf32> to vector<64x4096xf32>
    %swap3A_71 = vector.shape_cast %add3A_65 : vector<64x4096xf32> to vector<1x64x4096xf32>
    tpu.vector_store %arg7[%swap3A_66, %swap3A_67, %swap3A_68], %swap3A_71 {strides = array<i32>} : memref<4x64x4096xf32, #tpu.memory_space<vmem>>, vector<1x64x4096xf32>,
    %get3A_72 = arith.constant 0 : index
    %get3A_73 = arith.constant 0 : index
    %get3A_74 = vector.load %arg3[%get3A_72, %get3A_73] : memref<128x128xf32, #tpu.memory_space<vmem>>, vector<128x128xf32>
    %slice3A_75 = vector.extract_strided_slice %get3A_14 {offsets = [2, 0, 0], sizes = [1, 4096, 128], strides = [1, 1, 1]} : vector<4x4096x128xf32> to vector<1x4096x128xf32>
    %squeeze3A_76 = vector.shape_cast %slice3A_75 : vector<1x4096x128xf32> to vector<4096x128xf32>
    %dot_general3A_77 = arith.constant dense<0.000000e+00> : vector<128x4096xf32>
    %dot_general3A_78 = tpu.matmul %get3A_74, %squeeze3A_76, %dot_general3A_77 {dimension_numbers = #tpu.dot_dimension_numbers<[0], [1], [1], [0], [0, 1, 1, 0], [], []>, transpose_lhs_hint = false} : vector<128x128xf32>, vector<4096x128xf32>, vector<128x4096xf32> -> vector<128x4096xf32>
    %slice3A_79 = vector.extract_strided_slice %get3A_19 {offsets = [2, 0], sizes = [1, 4096], strides = [1, 1]} : vector<4x4096xi32> to vector<1x4096xi32>
    %squeeze3A_80 = vector.shape_cast %slice3A_79 : vector<1x4096xi32> to vector<4096xi32>
    %broadcast_in_dim3A_81 = vector.shape_cast %squeeze3A_80 : vector<4096xi32> to vector<1x4096xi32>
    %ne3A_82 = arith.constant 0 : i32
    %ne3A_83 = vector.broadcast %ne3A_82 : i32 to vector<1x4096xi32>
    %ne3A_84 = arith.cmpi ne, %broadcast_in_dim3A_81, %ne3A_83 : vector<1x4096xi32>
    %slice3A_85 = vector.extract_strided_slice %dot_general3A_78 {offsets = [64, 0], sizes = [64, 4096], strides = [1, 1]} : vector<128x4096xf32> to vector<64x4096xf32>
    %slice3A_86 = vector.extract_strided_slice %dot_general3A_78 {offsets = [0, 0], sizes = [64, 4096], strides = [1, 1]} : vector<128x4096xf32> to vector<64x4096xf32>
    %broadcast_in_dim3A_87 = vector.shape_cast %ne3A_84 : vector<1x4096xi1> to vector<1x4096xi1>
    %broadcast_in_dim3A_88 = vector.broadcast %broadcast_in_dim3A_87 : vector<1x4096xi1> to vector<64x4096xi1>
    %select_n3A_89 = arith.select %broadcast_in_dim3A_88, %slice3A_85, %slice3A_86 : vector<64x4096xi1>, vector<64x4096xf32>
    %slice3A_90 = vector.extract_strided_slice %add3A_10 {offsets = [2, 0], sizes = [1, 64], strides = [1, 1]} : vector<4x64xf32> to vector<1x64xf32>
    %squeeze3A_91 = vector.shape_cast %slice3A_90 : vector<1x64xf32> to vector<64xf32>
    %broadcast_in_dim3A_92 = vector.shape_cast %squeeze3A_91 : vector<64xf32> to vector<64x1xf32>
    %add3A_93 = vector.broadcast %broadcast_in_dim3A_92 : vector<64x1xf32> to vector<64x4096xf32>
    %add3A_94 = arith.addf %select_n3A_89, %add3A_93 : vector<64x4096xf32>
    %swap3A_95 = arith.constant 2 : index
    %swap3A_96 = arith.constant 0 : index
    %swap3A_97 = arith.constant 0 : index
    %swap3A_98 = vector.load %arg7[%swap3A_95, %swap3A_96, %swap3A_97] : memref<4x64x4096xf32, #tpu.memory_space<vmem>>, vector<1x64x4096xf32>
    %swap3A_99 = vector.shape_cast %swap3A_98 : vector<1x64x4096xf32> to vector<64x4096xf32>
    %swap3A_100 = vector.shape_cast %add3A_94 : vector<64x4096xf32> to vector<1x64x4096xf32>
    tpu.vector_store %arg7[%swap3A_95, %swap3A_96, %swap3A_97], %swap3A_100 {strides = array<i32>} : memref<4x64x4096xf32, #tpu.memory_space<vmem>>, vector<1x64x4096xf32>,
    %get3A_101 = arith.constant 0 : index
    %get3A_102 = arith.constant 0 : index
    %get3A_103 = vector.load %arg3[%get3A_101, %get3A_102] : memref<128x128xf32, #tpu.memory_space<vmem>>, vector<128x128xf32>
    %slice3A_104 = vector.extract_strided_slice %get3A_14 {offsets = [3, 0, 0], sizes = [1, 4096, 128], strides = [1, 1, 1]} : vector<4x4096x128xf32> to vector<1x4096x128xf32>
    %squeeze3A_105 = vector.shape_cast %slice3A_104 : vector<1x4096x128xf32> to vector<4096x128xf32>
    %dot_general3A_106 = arith.constant dense<0.000000e+00> : vector<128x4096xf32>
    %dot_general3A_107 = tpu.matmul %get3A_103, %squeeze3A_105, %dot_general3A_106 {dimension_numbers = #tpu.dot_dimension_numbers<[0], [1], [1], [0], [0, 1, 1, 0], [], []>, transpose_lhs_hint = false} : vector<128x128xf32>, vector<4096x128xf32>, vector<128x4096xf32> -> vector<128x4096xf32>
    %slice3A_108 = vector.extract_strided_slice %get3A_19 {offsets = [3, 0], sizes = [1, 4096], strides = [1, 1]} : vector<4x4096xi32> to vector<1x4096xi32>
    %squeeze3A_109 = vector.shape_cast %slice3A_108 : vector<1x4096xi32> to vector<4096xi32>
    %broadcast_in_dim3A_110 = vector.shape_cast %squeeze3A_109 : vector<4096xi32> to vector<1x4096xi32>
    %ne3A_111 = arith.constant 0 : i32
    %ne3A_112 = vector.broadcast %ne3A_111 : i32 to vector<1x4096xi32>
    %ne3A_113 = arith.cmpi ne, %broadcast_in_dim3A_110, %ne3A_112 : vector<1x4096xi32>
    %slice3A_114 = vector.extract_strided_slice %dot_general3A_107 {offsets = [64, 0], sizes = [64, 4096], strides = [1, 1]} : vector<128x4096xf32> to vector<64x4096xf32>
    %slice3A_115 = vector.extract_strided_slice %dot_general3A_107 {offsets = [0, 0], sizes = [64, 4096], strides = [1, 1]} : vector<128x4096xf32> to vector<64x4096xf32>
    %broadcast_in_dim3A_116 = vector.shape_cast %ne3A_113 : vector<1x4096xi1> to vector<1x4096xi1>
    %broadcast_in_dim3A_117 = vector.broadcast %broadcast_in_dim3A_116 : vector<1x4096xi1> to vector<64x4096xi1>
    %select_n3A_118 = arith.select %broadcast_in_dim3A_117, %slice3A_114, %slice3A_115 : vector<64x4096xi1>, vector<64x4096xf32>
    %slice3A_119 = vector.extract_strided_slice %add3A_10 {offsets = [3, 0], sizes = [1, 64], strides = [1, 1]} : vector<4x64xf32> to vector<1x64xf32>
    %squeeze3A_120 = vector.shape_cast %slice3A_119 : vector<1x64xf32> to vector<64xf32>
    %broadcast_in_dim3A_121 = vector.shape_cast %squeeze3A_120 : vector<64xf32> to vector<64x1xf32>
    %add3A_122 = vector.broadcast %broadcast_in_dim3A_121 : vector<64x1xf32> to vector<64x4096xf32>
    %add3A_123 = arith.addf %select_n3A_118, %add3A_122 : vector<64x4096xf32>
    %swap3A_124 = arith.constant 3 : index
    %swap3A_125 = arith.constant 0 : index
    %swap3A_126 = arith.constant 0 : index
    %swap3A_127 = vector.load %arg7[%swap3A_124, %swap3A_125, %swap3A_126] : memref<4x64x4096xf32, #tpu.memory_space<vmem>>, vector<1x64x4096xf32>
    %swap3A_128 = vector.shape_cast %swap3A_127 : vector<1x64x4096xf32> to vector<64x4096xf32>
    %swap3A_129 = vector.shape_cast %add3A_123 : vector<64x4096xf32> to vector<1x64x4096xf32>
    tpu.vector_store %arg7[%swap3A_124, %swap3A_125, %swap3A_126], %swap3A_129 {strides = array<i32>} : memref<4x64x4096xf32, #tpu.memory_space<vmem>>, vector<1x64x4096xf32>,
    return
  }
  func.func @transform_0(%arg0: i32) -> (i32, i32, i32) {
    %c0_i32 = arith.constant 0 : i32
    %c0_i32_0 = arith.constant 0 : i32
    %c0_i32_1 = arith.constant 0 : i32
    return %arg0, %c0_i32, %c0_i32_0 : i32, i32, i32
  }
  func.func @transform_1(%arg0: i32) -> (i32, i32, i32) {
    %c0_i32 = arith.constant 0 : i32
    %c0_i32_0 = arith.constant 0 : i32
    %c0_i32_1 = arith.constant 0 : i32
    return %arg0, %c0_i32, %c0_i32_0 : i32, i32, i32
  }
  func.func @transform_2(%arg0: i32) -> (i32, i32) {
    %c0_i32 = arith.constant 0 : i32
    %c0_i32_0 = arith.constant 0 : i32
    %c0_i32_1 = arith.constant 0 : i32
    return %c0_i32, %c0_i32_0 : i32, i32
  }
  func.func @transform_3(%arg0: i32) -> (i32, i32) {
    %c0_i32 = arith.constant 0 : i32
    %c0_i32_0 = arith.constant 0 : i32
    %c0_i32_1 = arith.constant 0 : i32
    return %c0_i32, %c0_i32_0 : i32, i32
  }
  func.func @transform_4(%arg0: i32) -> (i32, i32) {
    %c0_i32 = arith.constant 0 : i32
    %c0_i32_0 = arith.constant 0 : i32
    %c0_i32_1 = arith.constant 0 : i32
    return %c0_i32, %c0_i32_0 : i32, i32
  }
  func.func @transform_5(%arg0: i32) -> (i32, i32) {
    %c0_i32 = arith.constant 0 : i32
    %c0_i32_0 = arith.constant 0 : i32
    %c0_i32_1 = arith.constant 0 : i32
    return %c0_i32, %c0_i32_0 : i32, i32
  }
  func.func @transform_6(%arg0: i32) -> (i32, i32, i32) {
    %c0_i32 = arith.constant 0 : i32
    %c0_i32_0 = arith.constant 0 : i32
    %c0_i32_1 = arith.constant 0 : i32
    return %arg0, %c0_i32, %c0_i32_0 : i32, i32, i32
  }
}

</mosaic_0001>

<sc_bundles>
// kernel: kernel.4.cloned.1.call-start
scs
__scs_entry_jumppad:
0x0: {  	(pc) =	sbr.rel $0x88, $3  }
0x1: {  	(tag) =	ssettag $0x0;
	lr =	simm.s32 $0x1  }
0x2: {  	[smem:$0x3F9D] =	sst lr;
	_ =	strace $0xD0000000  }
0x3: {  	_ = 	snop  }
0x4: {  	_ = 	snop  }
0x5: {  	_ = 	snop  }
0x6: {  	_ = 	snop  }
0x7: {  	_ = 	snop  }
__scs_overlays_trampoline_lowered:
0x8: {  	[smem:$0x3FAC] =	sst s0  }
0x9: {  	[smem:$0x3FAD] =	sst s1  }
0xa: {  	[smem:$0x3FAE] =	sst s2  }
0xb: {  	[smem:$0x3FAF] =	sst s3  }
0xc: {  	[smem:$0x3FB0] =	sst s4  }
0xd: {  	[smem:$0x3FB1] =	sst s5  }
0xe: {  	[smem:$0x3FB2] =	sst s6  }
0xf: {  	[smem:$0x3FB3] =	sst s7  }
0x10: {  	[smem:$0x3FB4] =	sst s8  }
0x11: {  	[smem:$0x3FB5] =	sst s9;
	s0 =	simm.s32 @!p0 $0x0  }
0x12: {  	s1 =	sld [smem:$0x3F9B];
	s0 =	simm.s32 @p0 $0x1  }
0x13: {  	[smem:$0x3FB6] =	sst s0;
	s0 =	simm.s32 @!p1 $0x0  }
0x14: {  	s2 =	sld [smem:$0x3F9A];
	s0 =	simm.s32 @p1 $0x1  }
0x15: {  	[smem:$0x3FB7] =	sst s0;
	s0 =	simm.s32 @!p2 $0x0  }
0x16: {  	s3 =	sld [smem:$0x3FDB];
	s0 =	simm.s32 @p2 $0x1  }
0x17: {  	s4 =	simm.s32 $0x1BF5;
	[smem:$0x3FB9] =	sst s0  }
0x18: {  	s0 =	sld [smem:$0x3F9C];
	_ =	swait.ge [sflag:s4], $0x0  }
0x19: {  	s7 =	sld [smem:$0x3F9D]  }
0x1a: {  	s8 =	sadd.s32 $0xFFFFE003, lr  }
0x1b: {  	s9 =	sadd.s32 $0xFFFFFEF7, lr;
	s5 =	simm.s32 $0xFFFFFFFF;
	p2 =	slt.u32 s8, $0xFFFFF086  }
0x1c: {  	p1 =	slt.u32 s9, $0xF7A;
	s5 =	simm.s32 @!p2 $0x0  }
0x1d: {  	s5 =	simm.s32 @p1 $0x1;
	p0 =	seq.s32 s7, s2  }
0x1e: {  	s7 =	smul.u32 @!p0 $0xF7A, s2;
	p2 =	seq.s32 @!p0 s5, $0x0  }
0x1f: {  	s9 =	smul.u32 $0xF7A, s1;
	s8 =	simm.s32 @!p0 $0x1BF5;
	p2 =	por !p2, p0  }
0x20: {  	[sflag:s8] =	ssyncset.s32 @!p0 $0xFFFFF086;
	s6 =	sadd.s32 @!p0 s3, s7;
	s7 =	simm.s32 @!p0 $0x108  }
0x21: {  	s3 =	sadd.s32 s3, s9;
	s6 =	sadd.s32 @!p0 $0x88, s6;
	s7 =	simm.s32 @p2 $0x1082  }
0x22: {  	[simem:s7], [sflag:s8] =	dma.local @!p0 [hbm:s6], $0xF7A  }
0x23: {  	s9 =	sor.u32 $0xD0000000, s2;
	s6 =	simm.s32 $0x108;
	_ =	swait.ge @!p0 [sflag:s8], $0x0  }
0x24: {  	s3 =	sadd.s32 $0x88, s3;
	s6 =	simm.s32 @!p1 $0x1082;
	[sflag:s4] =	ssyncset.s32 $0xFFFFF086  }
0x25: {  	[simem:s6], [sflag:s4] =	dma.local [hbm:s3], $0xF7A  }
0x26: {  	[smem:$0x3F9D] =	sst s1;
	(tag) =	ssettag s2;
	_ =	strace s9  }
0x27: {  	s1 =	sld [smem:$0x3FAD]  }
0x28: {  	s2 =	sld [smem:$0x3FAE]  }
0x29: {  	s4 =	sld [smem:$0x3FB0]  }
0x2a: {  	p0 =	seq.s32 s5, $0x0;
	s5 =	sld [smem:$0x3FB1]  }
0x2b: {  	s6 =	sld [smem:$0x3FB2]  }
0x2c: {  	s7 =	sld [smem:$0x3FB3]  }
0x2d: {  	s3 =	simm.s32 $0x108;
	s8 =	sld [smem:$0x3FB4]  }
0x2e: {  	s3 =	simm.s32 @!p0 $0x1082;
	s9 =	sld [smem:$0x3FB5]  }
0x2f: {  	lr =	sadd.s32 s0, s3;
	s0 =	sld [smem:$0x3FAC]  }
0x30: {  	s3 =	sld [smem:$0x3FAF]  }
0x31: {  	[smem:$0x3FB8] =	sst s10  }
0x32: {  	s10 =	sld [smem:$0x3FB6];
	_ =	sdelay $0x3  }
0x33: {  	p0 =	seq.s32 s10, $0x1;
	s10 =	sld [smem:$0x3FB8];
	_ =	sdelay $0x3  }
0x34: {  	[smem:$0x3FB8] =	sst s10  }
0x35: {  	s10 =	sld [smem:$0x3FB7];
	_ =	sdelay $0x3  }
0x36: {  	p1 =	seq.s32 s10, $0x1;
	s10 =	sld [smem:$0x3FB8];
	_ =	sdelay $0x3  }
0x37: {  	[smem:$0x3FB8] =	sst s10  }
0x38: {  	s10 =	sld [smem:$0x3FB9]  }
0x39: {  	_ = 	snop;
	(pc) =	sbr.ind lr, $3  }
0x3a: {  	_ = 	snop  }
0x3b: {  	_ = 	snop  }
0x3c: {  	p2 =	seq.s32 s10, $0x1;
	s10 =	sld [smem:$0x3FB8]  }
0x3d: {  	_ =	shalt  }
0x3e: {  	_ =	shalt  }
0x3f: {  	_ =	shalt  }
0x40: {  	_ =	shalt  }
0x41: {  	_ =	shalt  }
0x42: {  	_ =	shalt  }
0x43: {  	_ =	shalt  }
0x44: {  	_ =	shalt  }
0x45: {  	_ =	shalt  }
0x46: {  	_ =	shalt  }
0x47: {  	_ =	shalt  }
0x48: {  	_ =	shalt  }
0x49: {  	_ =	shalt  }
0x4a: {  	_ =	shalt  }
0x4b: {  	_ =	shalt  }
0x4c: {  	_ =	shalt  }
0x4d: {  	_ =	shalt  }
0x4e: {  	_ =	shalt  }
0x4f: {  	_ =	shalt  }
0x50: {  	_ =	shalt  }
0x51: {  	_ =	shalt  }
0x52: {  	_ =	shalt  }
0x53: {  	_ =	shalt  }
0x54: {  	_ =	shalt  }
0x55: {  	_ =	shalt  }
0x56: {  	_ =	shalt  }
0x57: {  	_ =	shalt  }
0x58: {  	_ =	shalt  }
0x59: {  	_ =	shalt  }
0x5a: {  	_ =	shalt  }
0x5b: {  	_ =	shalt  }
0x5c: {  	_ =	shalt  }
0x5d: {  	_ =	shalt  }
0x5e: {  	_ =	shalt  }
0x5f: {  	_ =	shalt  }
0x60: {  	_ =	shalt  }
0x61: {  	_ =	shalt  }
0x62: {  	_ =	shalt  }
0x63: {  	_ =	shalt  }
0x64: {  	_ =	shalt  }
0x65: {  	_ =	shalt  }
0x66: {  	_ =	shalt  }
0x67: {  	_ =	shalt  }
0x68: {  	_ =	shalt  }
0x69: {  	_ =	shalt  }
0x6a: {  	_ =	shalt  }
0x6b: {  	_ =	shalt  }
0x6c: {  	_ =	shalt  }
0x6d: {  	_ =	shalt  }
0x6e: {  	_ =	shalt  }
0x6f: {  	_ =	shalt  }
0x70: {  	_ =	shalt  }
0x71: {  	_ =	shalt  }
0x72: {  	_ =	shalt  }
0x73: {  	_ =	shalt  }
0x74: {  	_ =	shalt  }
0x75: {  	_ =	shalt  }
0x76: {  	_ =	shalt  }
0x77: {  	_ =	shalt  }
0x78: {  	_ =	shalt  }
0x79: {  	_ =	shalt  }
0x7a: {  	_ =	shalt  }
0x7b: {  	_ =	shalt  }
0x7c: {  	_ =	shalt  }
0x7d: {  	_ =	shalt  }
0x7e: {  	_ =	shalt  }
0x7f: {  	_ =	shalt  }
0x80: {  	_ =	shalt  }
0x81: {  	_ =	shalt  }
0x82: {  	_ =	shalt  }
0x83: {  	_ =	shalt  }
0x84: {  	_ =	shalt  }
0x85: {  	_ =	shalt  }
0x86: {  	_ =	shalt  }
0x87: {  	_ =	shalt  }
.Lfunc_end0:
.L_simem_size_0:
called_computation_lowered:
.L_overlay_start_0:
0x88: {  	s2 =	sld [smem:$0x3FD9]  }
0x89: {  	s3 =	sld [smem:$0x3FFE];
	_ =	sdelay $0x1  }
0x8a: {  	s1 =	srdreg.scid  }
0x8b: {  	s0 =	sand.u32 $0x1, s1  }
0x8c: {  	s16 =	sshll.u32 s0, $0xA;
	s2 =	sadd.s32 s3, s2  }
0x8d: {  	s2 =	sadd.s32 s2, s16  }
0x8e: {  	[smem:$0x3FC4] =	sst s2  }
0x8f: {  	_ = 	snop  }
0x90: {  	(tm) =	ssettm $0x1  }
0x91: {  	s17 =	sld [smem:$0x3FFB];
	_ =	sdelay $0x3  }
0x92: {  	_ =	strace s17  }
0x93: {  	s2 =	sld [smem:$0x3FFC];
	_ =	sdelay $0x3  }
0x94: {  	_ =	strace s2  }
0x95: {  	s2 =	sld [smem:$0x3FFD];
	_ =	sdelay $0x3  }
0x96: {  	_ =	strace s2  }
0x97: {  	_ =	strace $0x8FFFFFFF  }
0x98: {  	s18 =	sld [smem:$0x3FDB];
	_ =	sdelay $0x1  }
0x99: {  	s19 =	simm.s32 $_scs_section_size  }
0x9a: {  	s4 =	simm.s32 $_size__tile_overlayer_lowered;
	s5 =	simm.s32 $_tile_overlayer_lowered  }
0x9b: {  	s22 =	simm.s32 $0x1BFF;
	s21 =	sshll.u32 s5, $0x1;
	s2 =	sadd.s32 s19, s18  }
0x9c: {  	s6 =	simm.s32 $0x0;
	s20 =	sshll.u32 s4, $0x1;
	s4 =	sadd.s32 s21, s2  }
0x9d: {  	[timem:s6], [sflag:s22] =	dma.local [hbm:s4], s20  }
0x9e: {  	_ =	swait.ge [sflag:s22], s20  }
0x9f: {  	s3 =	ssub.s32 $0x0, s20;
	[sflag:s22] =	ssyncset.done $0x0  }
0xa0: {  	[sflag:s22] =	ssyncadd.s32 s3;
	_ =	sdelay $0x1  }
0xa1: {  	s23 =	simm.s32 $0x1B8B  }
0xa2: {  	_ =	swait.ge [sflag:s23], $0x1  }
0xa3: {  	[sflag:s23] =	ssyncset.done $0x0  }
0xa4: {  	s25 =	simm.s32 $0x1B8E;
	s24 =	sld [smem:$0x3FFE];
	[sflag:s23] =	ssyncadd.s32 $0xFFFFFFFF  }
0xa5: {  	s26 =	simm.s32 $execute0_lowered;
	[smem:$0x3FD2] =	sst s25  }
0xa6: {  	s4 =	sshll.u32 s26, $0x1;
	_ =	strace $0x80000046;
	[dreg:$0x1] =	wrdreg $0xFFFFFFFF  }
0xa7: {  	s28 =	simm.s32 $_size_execute0_lowered;
	s2 =	sadd.s32 s2, s4;
	[dreg:$0x0] =	wrdreg $0x0  }
0xa8: {  	s4 =	sshll.u32 s28, $0x1;
	[dreg:$0x2] =	wrdreg s2  }
0xa9: {  	[dreg:$0x3] =	wrdreg s4  }
0xaa: {  	[dreg:$0x4] =	wrdreg $0xC0  }
0xab: {  	_ =	task [dreg:s6], $0x5FFFF  }
0xac: {  	[dreg:$0x1] =	wrdreg $0xFFFFFFFF  }
0xad: {  	[dreg:$0x0] =	wrdreg $0x60  }
0xae: {  	[dreg:$0x2] =	wrdreg s24  }
0xaf: {  	[dreg:$0x3] =	wrdreg $0x9  }
0xb0: {  	_ =	task.clear_ibuf [dreg:s6], $0x4FFFF;
	_ =	strace $0x90000046  }
0xb1: {  	s29 =	simm.s32 $0x9;
	_ =	strace $0x80000048  }
0xb2: {  	_ =	swait.ge [sflag:s29], $0x1  }
0xb3: {  	[sflag:s29] =	ssyncadd.s32 $0xFFFFFFFF  }
0xb4: {  	_ =	strace $0x90000048  }
0xb5: {  	_ =	sfence  }
0xb6: {  	s30 =	sld [smem:$0x0];
	_ =	sdelay $0x2  }
0xb7: {  	s31 =	sshll.u32 s1, $0xD;
	s1 =	sshrl.u32 s1, $0x2  }
0xb8: {  	s3 =	sand.u32 $0x4000, s31;
	s1 =	sadd.s32 s1, s30  }
0xb9: {  	s0 =	sor.u32 s3, s0;
	s1 =	sshll.u32 s1, $0x11  }
0xba: {  	s0 =	sor.u32 s1, s0  }
0xbb: {  	s0 =	sadd.s32 $0x8F2B, s0  }
0xbc: {  	[sflag:s0] =	ssyncadd.remote.s32 $0x1  }
0xbd: {  	_ =	sfence.sel $0xFFFF  }
0xbe: {  	[dreg:$0x0] =	wrdreg $0xFFFFFFFF;
	(pc) =	sbr.abs _section_cstart, $3  }
0xbf: {  	[dreg:$0x1] =	wrdreg $0xFFFFFFFF  }
0xc0: {  	_ =	task.clear_ibuf [dreg:s6], $0x2FFFF;
	_ =	strace $0x9FFFFFFF  }
0xc1: {  	(tm) =	ssettm $0x7FFFFFFF  }
tec
execute0_lowered:
.L_overlay_start_1:
0x0: {  	(tag) =	ssettag $0x1  }
0x1: {  	s4 =	rddreg [dreg:$0x0]  }
0x2: {  	s0 =	rddreg [dreg:$0x1]  }
0x3: {  	s3 =	srdreg.scid;
	s1 =	stileid.u32  }
0x4: {  	s2 =	simm.s32 $0x0;
	s12 =	simm.s32 $0x6400;
	s13 =	simm.s32 $0xA400  }
0x5: {  	s14 =	simm.s32 $0x1;
	s15 =	simm.s32 $0xE400;
	s16 =	simm.s32 $0x12400  }
0x6: {  	s17 =	simm.s32 $0x2;
	s18 =	simm.s32 $0x6300;
	s19 =	simm.s32 $0x6380  }
0x7: {  	s5 =	sand.u32 $0x1, s3;
	s25 =	sshll.u32 s1, $0x1;
	s9 =	smul.u32 $0x640000, s1  }
0x8: {  	s20 =	simm.s32 $0x0;
	s6 =	sor.u32 s5, s25;
	s11 =	smul.u32 $0x320000, s5  }
0x9: {  	[smem:$0x7FF] =	sst s2;
	s8 =	ssub.s32 $0x2, s5;
	s7 =	smul.u32 $0xC80, s6  }
0xa: {  	s3 =	sadd.s32 $0xF43600, s4;
	s6 =	smul.u32 $0x320000, s6;
	s26 =	sshrl.u32 s8, $0x1  }
0xb: {  	s10 =	sadd.s32 $0x1A200, s4;
	_ =	strace $0x80000047;
	s28 =	ssub.s32 s8, s26  }
0xc: {  	s30 =	sadd.s32 s11, s9;
	s7 =	sadd.s32 s7, s4;
	s6 =	sshrl.u32 s6, $0x3  }
0xd: {  	s5 =	smax.u32 s28, $0x1;
	s9 =	sshrl.u32 s30, $0x3;
	s11 =	sor.u32 $0x8000, s30  }
0xe: {  	s4 =	sadd.s32 $0x1200, s7;
	s29 =	sadd.s32 s10, s6;
	s8 =	sadd.s32 s9, s10  }
0xf: {  	s31 =	sshrl.u32 s11, $0x3;
	s11 =	simm.s32 $0x80;
	s6 =	sadd.s32 $0x62000, s29  }
0x10: {  	s7 =	sadd.s32 $0x63000, s29;
	s9 =	sadd.s32 s31, s10;
	s10 =	simm.s32 $0x3  }
.LBB2_1:
0x11: {  	[tilespmem:s2], [sflag:$0x3] =	stream.linear.gather [hbm4b:s4+s2], $0x6400, $0x38;
	[tilespmem:$0x16400] =	vst v63  }
0x12: {  	_ =	swait.ge [sflag:s10], $0x6400  }
0x13: {  	[sflag:s10] =	ssyncset.done $0x0  }
0x14: {  	[sflag:s10] =	ssyncadd.s32 $0xFFFF9C00  }
0x15: {  	[tilespmem:s12], [sflag:$0x1] =	stream.indirect.gather [hbm4b:s3+s11], $0x80, s2, s11, $0xb8;
	[tilespmem:$0x16400] =	vst v63  }
0x16: {  	_ = 	snop  }
0x17: {  	[tilespmem:s13], [sflag:$0x1] =	stream.indirect.gather [hbm4b:s3+s11], $0x80, s11, s11, $0xb8;
	[tilespmem:$0x16400] =	vst v63  }
0x18: {  	_ =	swait.ge [sflag:s14], $0x4000  }
0x19: {  	[sflag:s14] =	ssyncset.done $0x0  }
0x1a: {  	[sflag:s14] =	ssyncadd.s32 $0xFFFFC000  }
0x1b: {  	_ =	swait.ge [sflag:s14], $0x4000  }
0x1c: {  	[sflag:s14] =	ssyncset.done $0x0  }
0x1d: {  	s21 =	simm.s32 $0x100;
	[sflag:s14] =	ssyncadd.s32 $0xFFFFC000  }
0x1e: {  	[tilespmem:s15], [sflag:$0x2] =	stream.indirect.gather [hbm4b:s3+s11], $0x80, s21, s11, $0xb8;
	[tilespmem:$0x16400] =	vst v63  }
0x1f: {  	s29 =	simm.s32 $0x180  }
0x20: {  	[tilespmem:s16], [sflag:$0x2] =	stream.indirect.gather [hbm4b:s3+s11], $0x80, s29, s11, $0xb8;
	[tilespmem:$0x16400] =	vst v63  }
0x21: {  	_ = 	snop  }
0x22: {  	[hbm4b:s8+s2] =	stream.linear.scatter [tilespmem:s12], [sflag:$0x3], $0x8000, $0x38;
	[tilespmem:$0x16400] =	vst v63  }
0x23: {  	_ =	swait.ge [sflag:s10], $0x8000  }
0x24: {  	[sflag:s10] =	ssyncset.done $0x0  }
0x25: {  	[sflag:s10] =	ssyncadd.s32 $0xFFFF8000  }
0x26: {  	_ =	swait.ge [sflag:s17], $0x4000  }
0x27: {  	[sflag:s17] =	ssyncset.done $0x0  }
0x28: {  	[sflag:s17] =	ssyncadd.s32 $0xFFFFC000  }
0x29: {  	_ =	swait.ge [sflag:s17], $0x4000  }
0x2a: {  	[sflag:s17] =	ssyncset.done $0x0  }
0x2b: {  	s30 =	simm.s32 $0x200;
	[sflag:s17] =	ssyncadd.s32 $0xFFFFC000  }
0x2c: {  	[tilespmem:s12], [sflag:$0x1] =	stream.indirect.gather [hbm4b:s3+s11], $0x80, s30, s11, $0xb8;
	[tilespmem:$0x16400] =	vst v63  }
0x2d: {  	s31 =	simm.s32 $0x280  }
0x2e: {  	[tilespmem:s13], [sflag:$0x1] =	stream.indirect.gather [hbm4b:s3+s11], $0x80, s31, s11, $0xb8;
	[tilespmem:$0x16400] =	vst v63  }
0x2f: {  	_ = 	snop  }
0x30: {  	[hbm4b:s9+s2] =	stream.linear.scatter [tilespmem:s15], [sflag:$0x3], $0x8000, $0x38;
	[tilespmem:$0x16400] =	vst v63  }
0x31: {  	s22 =	smov.u32 s8;
	_ =	swait.ge [sflag:s10], $0x8000  }
0x32: {  	s23 =	smov.u32 s9;
	s21 =	simm.s32 $0x800;
	[sflag:s10] =	ssyncset.done $0x0  }
.LBB2_2:
0x33: {  	[sflag:s10] =	ssyncadd.s32 $0xFFFF8000;
	s22 =	sadd.s32 $0x2000, s22;
	s23 =	sadd.s32 $0x2000, s23  }
0x34: {  	p0 =	sne.s32 s21, $0x18000;
	s24 =	smov.u32 s21;
	s21 =	sadd.s32 $0x800, s21  }
0x35: {  	_ =	swait.ge [sflag:s14], $0x4000  }
0x36: {  	[sflag:s14] =	ssyncset.done $0x0  }
0x37: {  	[sflag:s14] =	ssyncadd.s32 $0xFFFFC000  }
0x38: {  	_ =	swait.ge [sflag:s14], $0x4000  }
0x39: {  	s24 =	sshra.s32 s24, $0x2;
	[sflag:s14] =	ssyncset.done $0x0  }
0x3a: {  	s25 =	sadd.s32 $0x100, s24;
	[sflag:s14] =	ssyncadd.s32 $0xFFFFC000  }
0x3b: {  	[tilespmem:s15], [sflag:$0x2] =	stream.indirect.gather [hbm4b:s3+s11], $0x80, s25, s11, $0xb8;
	[tilespmem:$0x16400] =	vst v63  }
0x3c: {  	s25 =	sadd.s32 $0x180, s24  }
0x3d: {  	[tilespmem:s16], [sflag:$0x2] =	stream.indirect.gather [hbm4b:s3+s11], $0x80, s25, s11, $0xb8;
	[tilespmem:$0x16400] =	vst v63  }
0x3e: {  	_ = 	snop  }
0x3f: {  	[hbm4b:s22+s2] =	stream.linear.scatter [tilespmem:s12], [sflag:$0x3], $0x8000, $0x38;
	[tilespmem:$0x16400] =	vst v63  }
0x40: {  	_ =	swait.ge [sflag:s10], $0x8000  }
0x41: {  	[sflag:s10] =	ssyncset.done $0x0  }
0x42: {  	[sflag:s10] =	ssyncadd.s32 $0xFFFF8000  }
0x43: {  	_ =	swait.ge [sflag:s17], $0x4000  }
0x44: {  	[sflag:s17] =	ssyncset.done $0x0  }
0x45: {  	[sflag:s17] =	ssyncadd.s32 $0xFFFFC000  }
0x46: {  	_ =	swait.ge [sflag:s17], $0x4000  }
0x47: {  	[sflag:s17] =	ssyncset.done $0x0  }
0x48: {  	s25 =	sadd.s32 $0x200, s24;
	[sflag:s17] =	ssyncadd.s32 $0xFFFFC000  }
0x49: {  	[tilespmem:s12], [sflag:$0x1] =	stream.indirect.gather [hbm4b:s3+s11], $0x80, s25, s11, $0xb8;
	[tilespmem:$0x16400] =	vst v63  }
0x4a: {  	s24 =	sadd.s32 $0x280, s24  }
0x4b: {  	[tilespmem:s13], [sflag:$0x1] =	stream.indirect.gather [hbm4b:s3+s11], $0x80, s24, s11, $0xb8;
	[tilespmem:$0x16400] =	vst v63  }
.Ltmp0:
0x4c: {  	_ = 	snop;
	(pc) =	sbr.rel @p0 .LBB2_2-.Ltmp0, $4  }
0x4d: {  	_ = 	snop  }
0x4e: {  	[hbm4b:s23+s2] =	stream.linear.scatter [tilespmem:s15], [sflag:$0x3], $0x8000, $0x38;
	[tilespmem:$0x16400] =	vst v63  }
0x4f: {  	_ =	swait.ge [sflag:s10], $0x8000  }
0x50: {  	[sflag:s10] =	ssyncset.done $0x0  }
0x51: {  	[sflag:s10] =	ssyncadd.s32 $0xFFFF8000  }
0x52: {  	_ =	swait.ge [sflag:s14], $0x4000  }
0x53: {  	[sflag:s14] =	ssyncset.done $0x0  }
0x54: {  	[sflag:s14] =	ssyncadd.s32 $0xFFFFC000  }
0x55: {  	_ =	swait.ge [sflag:s14], $0x4000  }
0x56: {  	[sflag:s14] =	ssyncset.done $0x0  }
0x57: {  	[sflag:s14] =	ssyncadd.s32 $0xFFFFC000  }
0x58: {  	[tilespmem:s15], [sflag:$0x2] =	stream.indirect.gather [hbm4b:s3+s11], $0x80, s18, s11, $0xb8;
	[tilespmem:$0x16400] =	vst v63  }
0x59: {  	_ = 	snop  }
0x5a: {  	[tilespmem:s16], [sflag:$0x2] =	stream.indirect.gather [hbm4b:s3+s11], $0x80, s19, s11, $0xb8;
	[tilespmem:$0x16400] =	vst v63  }
0x5b: {  	_ = 	snop  }
0x5c: {  	[hbm4b:s6+s2] =	stream.linear.scatter [tilespmem:s12], [sflag:$0x3], $0x8000, $0x38;
	[tilespmem:$0x16400] =	vst v63  }
0x5d: {  	_ =	swait.ge [sflag:s10], $0x8000  }
0x5e: {  	[sflag:s10] =	ssyncset.done $0x0  }
0x5f: {  	[sflag:s10] =	ssyncadd.s32 $0xFFFF8000  }
0x60: {  	_ =	swait.ge [sflag:s17], $0x4000  }
0x61: {  	[sflag:s17] =	ssyncset.done $0x0  }
0x62: {  	[sflag:s17] =	ssyncadd.s32 $0xFFFFC000  }
0x63: {  	_ =	swait.ge [sflag:s17], $0x4000  }
0x64: {  	[sflag:s17] =	ssyncset.done $0x0  }
0x65: {  	[sflag:s17] =	ssyncadd.s32 $0xFFFFC000  }
0x66: {  	[tilespmem:s12], [sflag:$0x1] =	stream.indirect.gather [hbm4b:s3+s11], $0x80, s18, s11, $0xb8;
	[tilespmem:$0x16400] =	vst v63  }
0x67: {  	_ = 	snop  }
0x68: {  	[tilespmem:s13], [sflag:$0x1] =	stream.indirect.gather [hbm4b:s3+s11], $0x80, s19, s11, $0xb8;
	[tilespmem:$0x16400] =	vst v63  }
0x69: {  	_ = 	snop  }
0x6a: {  	[hbm4b:s7+s2] =	stream.linear.scatter [tilespmem:s15], [sflag:$0x3], $0x8000, $0x38;
	[tilespmem:$0x16400] =	vst v63  }
0x6b: {  	_ =	swait.ge [sflag:s10], $0x8000  }
0x6c: {  	[sflag:s10] =	ssyncset.done $0x0  }
0x6d: {  	s20 =	sadd.s32 $0x1, s20;
	[sflag:s10] =	ssyncadd.s32 $0xFFFF8000  }
0x6e: {  	p0 =	sne.s32 s20, s5;
	_ =	swait.ge [sflag:s14], $0x4000  }
.Ltmp1:
0x6f: {  	[sflag:s14] =	ssyncset.done $0x0;
	(pc) =	sbr.rel @p0 .LBB2_1-.Ltmp1, $4  }
0x70: {  	[sflag:s14] =	ssyncadd.s32 $0xFFFFC000  }
0x71: {  	_ =	swait.ge [sflag:s14], $0x4000  }
0x72: {  	[sflag:s14] =	ssyncset.done $0x0  }
0x73: {  	[sflag:s14] =	ssyncadd.s32 $0xFFFFC000  }
0x74: {  	_ =	sfence.sel $0x180000  }
0x75: {  	[bflag:$0x0] =	sbarrier.arrive $0xFFFF  }
0x76: {  	p0 =	sne.s32 s1, $0x0;
	_ =	strace $0x90000047  }
0x77: {  	s0 =	sadd.s32 @!p0 $0x100000, s0;
	[bflag:$0x2] =	sbarrier.arrive $0xFFFF  }
0x78: {  	[sflag:s0] =	ssyncadd.tile.s32 @!p0 $0x1;
	_ =	shalt  }
.Lfunc_end2:
_tile_overlayer_lowered:
.L_overlay_start_2:
0x79: {  	(tag) =	ssettag $0x2  }
0x7a: {  	s0 =	rddreg [dreg:$0x0];
	s2 =	stileid.u32  }
0x7b: {  	s1 =	rddreg [dreg:$0x1];
	p0 =	sne.s32 s2, $0x0  }
0x7c: {  	s3 =	rddreg [dreg:$0x2];
	[bflag:$0x3] =	sbarrier.arrive $0xFFFF;
	s2 =	simm.s32 @!p0 $0x1C03  }
0x7d: {  	[timem:s3], [sflag:s2] =	dma.local @!p0 [hbm:s0], s1  }
0x7e: {  	s0 =	simm.s32 @!p0 $0x3  }
0x7f: {  	_ =	swait.ge @!p0 [sflag:s0], s1  }
0x80: {  	s1 =	ssub.s32 @!p0 $0x0, s1;
	[sflag:s0] =	ssyncset.done @!p0 $0x0  }
0x81: {  	[sflag:s0] =	ssyncadd.s32 @!p0 s1  }
0x82: {  	[bflag:$0x3] =	sbarrier.arrive $0xFFFF  }
0x83: {  	_ =	shalt  }

</sc_bundles>
